<compile_context>
chip_gen: v7x
topology: tpu7x:2x2x1
jax: 0.10.2.dev20260603
libtpu: 0.0.44.dev20260713+nightly
codegen_flags: <defaults>
</compile_context>

<pallas_src>
import jax
import jax.numpy as jnp
from jax import lax
from jax.experimental import pallas as pl
from jax.experimental.pallas import tpu as pltpu
from jax.experimental.pallas import tpu_sc as plsc

N_NODES = 10000
D = 128
N_CLASSES = 40

NC = 2
NS = 16
CHUNK = 128
CPT = 80
GCH = 40
E_PAD = NC * NS * CPT * CHUNK
RPT = 632
N_PAD = NS * RPT
ROW_BLK = RPT
GRID = N_PAD // ROW_BLK

_MESH = plsc.VectorSubcoreMesh(core_axis_name="c", subcore_axis_name="s")


def _agg_body(feat, srci, dsti, zer, acc_out, src_v, dst_v, rows_v, acc_s, sem):
  c = lax.axis_index("c")
  s = lax.axis_index("s")
  w = c * NS + s
  r0 = s * RPT
  pltpu.sync_copy(zer, acc_s.at[pl.ds(r0, RPT)])
  plsc.subcore_barrier()

  def group(g, carry):
    base = w * CPT + g * GCH
    pltpu.sync_copy(srci.at[pl.ds(base, GCH)], src_v)
    pltpu.sync_copy(dsti.at[pl.ds(base, GCH)], dst_v)
    pltpu.async_copy(feat.at[src_v.at[0]], rows_v.at[0], sem)

    def step(b, c2):
      p = lax.rem(b, 2)
      pltpu.make_async_copy(feat.at[src_v.at[b]], rows_v.at[p], sem).wait()

      @pl.when(b + 1 < GCH)
      def _():
        pltpu.async_copy(feat.at[src_v.at[b + 1]], rows_v.at[1 - p], sem)

      pltpu.sync_copy(rows_v.at[p], acc_s.at[dst_v.at[b]], add=True)
      return c2

    lax.fori_loop(0, GCH, step, 0)
    return carry

  lax.fori_loop(0, CPT // GCH, group, 0)

  plsc.subcore_barrier()
  ob = c * N_PAD + r0
  pltpu.sync_copy(acc_s.at[pl.ds(r0, RPT)], acc_out.at[pl.ds(ob, RPT)])


_agg = pl.kernel(
    _agg_body, mesh=_MESH,
    out_type=[jax.ShapeDtypeStruct((NC * N_PAD, D), jnp.float32)],
    scratch_types=[
        pltpu.VMEM((GCH, CHUNK), jnp.int32),
        pltpu.VMEM((GCH, CHUNK), jnp.int32),
        pltpu.VMEM((2, CHUNK, D), jnp.float32),
        pltpu.VMEM_SHARED((N_PAD, D), jnp.float32),
        pltpu.SemaphoreType.DMA,
    ])


def _count_body(dsti, zer, ones, cnt_out, dst_v, ones_v, cnt_s, sem):
  c = lax.axis_index("c")
  s = lax.axis_index("s")
  w = c * NS + s
  r0 = s * RPT
  pltpu.sync_copy(zer, cnt_s.at[pl.ds(r0, RPT)])
  pltpu.sync_copy(ones, ones_v)
  plsc.subcore_barrier()
  ngrp = CPT // GCH
  pltpu.sync_copy(dsti.at[pl.ds(w * CPT, GCH)], dst_v.at[0])

  def group(g, carry):
    q = lax.rem(g, 2)

    def fire(b, c2):
      pltpu.async_copy(ones_v, cnt_s.at[dst_v.at[q, b]], sem, add=True)
      return c2

    lax.fori_loop(0, GCH, fire, 0)

    @pl.when(g + 1 < ngrp)
    def _():
      base = w * CPT + (g + 1) * GCH
      pltpu.sync_copy(dsti.at[pl.ds(base, GCH)], dst_v.at[1 - q])

    def drain(b, c2):
      pltpu.make_async_copy(ones_v, cnt_s.at[dst_v.at[q, 0]], sem).wait()
      return c2

    lax.fori_loop(0, GCH, drain, 0)
    return carry

  lax.fori_loop(0, ngrp, group, 0)

  plsc.subcore_barrier()
  ob = c * N_PAD + r0
  pltpu.sync_copy(cnt_s.at[pl.ds(r0, RPT)], cnt_out.at[pl.ds(ob, RPT)])


_count = pl.kernel(
    _count_body, mesh=_MESH,
    out_type=[jax.ShapeDtypeStruct((NC * N_PAD, D), jnp.float32)],
    scratch_types=[
        pltpu.VMEM((2, GCH, CHUNK), jnp.int32),
        pltpu.VMEM((CHUNK, D), jnp.float32),
        pltpu.VMEM_SHARED((N_PAD, D), jnp.float32),
        pltpu.SemaphoreType.DMA,
    ])


def _dense1(acc, cnt, x, wl, b, wr):
  def body(a0, a1, c0, c1, x_ref, wl_ref, b_ref, wr_ref, h_ref):
    sums = a0[...] + a1[...]
    counts = jnp.maximum(c0[:, 0:1] + c1[:, 0:1], 1.0)
    agg = sums / counts
    h = (jnp.dot(agg, wl_ref[...], preferred_element_type=jnp.float32)
         + b_ref[...]
         + jnp.dot(x_ref[...], wr_ref[...], preferred_element_type=jnp.float32))
    h_ref[...] = jnp.maximum(h, 0.0)

  return pl.pallas_call(
      body,
      grid=(GRID,),
      in_specs=[
          pl.BlockSpec((ROW_BLK, D), lambda i: (i, 0)),
          pl.BlockSpec((ROW_BLK, D), lambda i: (i + GRID, 0)),
          pl.BlockSpec((ROW_BLK, D), lambda i: (i, 0)),
          pl.BlockSpec((ROW_BLK, D), lambda i: (i + GRID, 0)),
          pl.BlockSpec((ROW_BLK, D), lambda i: (i, 0)),
          pl.BlockSpec((D, D), lambda i: (0, 0)),
          pl.BlockSpec((1, D), lambda i: (0, 0)),
          pl.BlockSpec((D, D), lambda i: (0, 0)),
      ],
      out_specs=pl.BlockSpec((ROW_BLK, D), lambda i: (i, 0)),
      out_shape=jax.ShapeDtypeStruct((N_PAD, D), jnp.float32),
  )(acc, acc, cnt, cnt, x, wl, b, wr)


def _dense2(acc, cnt, h, wl, b, wr):
  def body(a0, a1, c0, c1, h_ref, wl_ref, b_ref, wr_ref, o_ref):
    sums = a0[...] + a1[...]
    counts = jnp.maximum(c0[:, 0:1] + c1[:, 0:1], 1.0)
    agg = sums / counts
    logits = (jnp.dot(agg, wl_ref[...], preferred_element_type=jnp.float32)
              + b_ref[...]
              + jnp.dot(h_ref[...], wr_ref[...], preferred_element_type=jnp.float32))
    m = jnp.max(logits, axis=1, keepdims=True)
    lse = jnp.log(jnp.sum(jnp.exp(logits - m), axis=1, keepdims=True))
    o_ref[...] = logits - m - lse

  return pl.pallas_call(
      body,
      grid=(GRID,),
      in_specs=[
          pl.BlockSpec((ROW_BLK, D), lambda i: (i, 0)),
          pl.BlockSpec((ROW_BLK, D), lambda i: (i + GRID, 0)),
          pl.BlockSpec((ROW_BLK, D), lambda i: (i, 0)),
          pl.BlockSpec((ROW_BLK, D), lambda i: (i + GRID, 0)),
          pl.BlockSpec((ROW_BLK, D), lambda i: (i, 0)),
          pl.BlockSpec((D, N_CLASSES), lambda i: (0, 0)),
          pl.BlockSpec((1, N_CLASSES), lambda i: (0, 0)),
          pl.BlockSpec((D, N_CLASSES), lambda i: (0, 0)),
      ],
      out_specs=pl.BlockSpec((ROW_BLK, N_CLASSES), lambda i: (i, 0)),
      out_shape=jax.ShapeDtypeStruct((N_PAD, N_CLASSES), jnp.float32),
  )(acc, acc, cnt, cnt, h, wl, b, wr)


def kernel(x, edge_index, W1l, b1l, W1r, W2l, b2l, W2r):
  src = edge_index[0].astype(jnp.int32)
  dst = edge_index[1].astype(jnp.int32)
  pad = E_PAD - src.shape[0]
  src2 = jnp.concatenate([src, jnp.zeros((pad,), jnp.int32)]).reshape(-1, CHUNK)
  dst2 = jnp.concatenate([dst, jnp.full((pad,), N_NODES, jnp.int32)]).reshape(-1, CHUNK)
  x_pad = jnp.pad(x, ((0, N_PAD - N_NODES), (0, 0)))
  zer = jnp.zeros((RPT, D), jnp.float32)
  ones = jnp.ones((CHUNK, D), jnp.float32)

  (cnt,) = _count(dst2, zer, ones)
  (acc1,) = _agg(x_pad, src2, dst2, zer)
  h = _dense1(acc1, cnt, x_pad, W1l.T, b1l.reshape(1, D), W1r.T)
  (acc2,) = _agg(h, src2, dst2, zer)
  out = _dense2(acc2, cnt, h, W2l.T, b2l.reshape(1, N_CLASSES), W2r.T)
  return out[:N_NODES]

# --- scband reference (transcript-rebuilt; emitter-appended) ---
"""Pipeline reference for scband-graph-sagenet-35897336660097 (READ-ONLY COPY).

The authoritative reference and input builder live on the scoring server;
editing this copy changes nothing except your own understanding.
"""

import jax, jax.numpy as jnp
import numpy as np

N_NODES = 10000
N_EDGES = 320000
D_IN = 128
D_HID = 128
N_CLASSES = 40


def setup_inputs(seed: int = 0) -> dict:
    key = jax.random.key(seed)
    ks = jax.random.split(key, 8)
    x = jax.random.normal(ks[0], (N_NODES, D_IN), dtype=jnp.float32)
    edge_index = jax.random.randint(ks[1], (2, N_EDGES), 0, N_NODES, dtype=jnp.int64 if jax.config.jax_enable_x64 else jnp.int32)
    # SAGEConv layer 1 params: lin_l (applied to aggregated neighbors, has bias), lin_r (applied to root, no bias)
    W1l = jax.random.normal(ks[2], (D_HID, D_IN), dtype=jnp.float32) * 0.05
    b1l = jnp.zeros((D_HID,), dtype=jnp.float32)
    W1r = jax.random.normal(ks[3], (D_HID, D_IN), dtype=jnp.float32) * 0.05
    # SAGEConv layer 2 params
    W2l = jax.random.normal(ks[4], (N_CLASSES, D_HID), dtype=jnp.float32) * 0.05
    b2l = jnp.zeros((N_CLASSES,), dtype=jnp.float32)
    W2r = jax.random.normal(ks[5], (N_CLASSES, D_HID), dtype=jnp.float32) * 0.05
    return {"x": x, "edge_index": edge_index, "W1l": W1l, "b1l": b1l, "W1r": W1r,
            "W2l": W2l, "b2l": b2l, "W2r": W2r}


def _sage_conv(x, edge_index, Wl, bl, Wr):
    # mean aggregation of source features onto destination nodes
    src = edge_index[0]
    dst = edge_index[1]
    msgs = jnp.take(x, src, axis=0)  # gather [E, d]
    sums = jax.ops.segment_sum(msgs, dst, num_segments=N_NODES)  # scatter-add
    counts = jax.ops.segment_sum(jnp.ones((msgs.shape[0],), dtype=x.dtype), dst, num_segments=N_NODES)
    agg = sums / jnp.clip(counts, 1.0, None)[:, None]
    return agg @ Wl.T + bl + x @ Wr.T


def reference(x, edge_index, W1l, b1l, W1r, W2l, b2l, W2r):
    h = _sage_conv(x, edge_index, W1l, b1l, W1r)
    h = jax.nn.relu(h)
    h = _sage_conv(h, edge_index, W2l, b2l, W2r)
    return jax.nn.log_softmax(h, axis=1)

if __name__ == "__main__":
    import jax
    _d = setup_inputs()
    print(jax.jit(kernel)(*tuple(_d.values())))

</pallas_src>

<mosaic_0001>
#map = affine_map<(d0, d1) -> (0, 0)>
module attributes {stable_mosaic.version = 14 : i64} {
  func.func @_agg_body(%arg0: i32, %arg1: i32, %arg2: memref<10112x128xf32, #tpu.memory_space<hbm>>, %arg3: memref<2560x128xi32, #tpu.memory_space<hbm>>, %arg4: memref<2560x128xi32, #tpu.memory_space<hbm>>, %arg5: memref<632x128xf32, #tpu.memory_space<hbm>>, %arg6: memref<20224x128xf32, #tpu.memory_space<hbm>>, %arg7: memref<40x128xi32, #tpu.memory_space<vmem>>, %arg8: memref<40x128xi32, #tpu.memory_space<vmem>>, %arg9: memref<2x128x128xf32, #tpu.memory_space<vmem>>, %arg10: memref<10112x128xf32, #tpu.memory_space<vmem_shared>>, %arg11: memref<!tpu.dma_semaphore, #tpu.memory_space<semaphore_mem>>) attributes {dimension_semantics = [#tpu.dimension_semantics<core_parallel>, #tpu.dimension_semantics<subcore_parallel>], iteration_bounds = array<i64: 2, 16>, scalar_prefetch = 0 : i64, scratch_operands = 5 : i64, tpu.core_type = #tpu.core_type<sc_vector_subcore>, window_params = [{transform_indices = #map}, {transform_indices = #map}, {transform_indices = #map}, {transform_indices = #map}, {transform_indices = #map}]} {
    %mul3A = arith.constant 16 : i32
    %mul3A_0 = arith.muli %arg0, %mul3A : i32
    %add3A = arith.addi %mul3A_0, %arg1 : i32
    %mul3A_1 = arith.constant 632 : i32
    %mul3A_2 = arith.muli %arg1, %mul3A_1 : i32
    "tpu.region"() ({
      %run_scoped3A = tpu.sem_alloc : memref<!tpu.dma_semaphore, #tpu.memory_space<semaphore_mem>>
      %dma_start3A = arith.constant 0 : i32
      %dma_start3A_12 = tpu.memref_slice %arg10[%mul3A_2, %dma_start3A] : memref<10112x128xf32, #tpu.memory_space<vmem_shared>> -> memref<632x128xf32, #tpu.memory_space<vmem_shared>>
      tpu.enqueue_dma source(%arg5 : memref<632x128xf32, #tpu.memory_space<hbm>>) target(%dma_start3A_12 : memref<632x128xf32, #tpu.memory_space<vmem_shared>>) target_semaphore(%run_scoped3A : memref<!tpu.dma_semaphore, #tpu.memory_space<semaphore_mem>>)
      %dma_wait3A = arith.constant 0 : i32
      %dma_wait3A_13 = tpu.memref_slice %arg10[%mul3A_2, %dma_wait3A] : memref<10112x128xf32, #tpu.memory_space<vmem_shared>> -> memref<632x128xf32, #tpu.memory_space<vmem_shared>>
      tpu.wait_dma2 semaphore(%run_scoped3A : memref<!tpu.dma_semaphore, #tpu.memory_space<semaphore_mem>>) src(%arg5 : memref<632x128xf32, #tpu.memory_space<hbm>>) dst(%dma_wait3A_13 : memref<632x128xf32, #tpu.memory_space<vmem_shared>>)
      tpu.yield
    }) : () -> ()
    %barrier3A = arith.constant 0 : index
    tpu.barrier barrier_id(%barrier3A)
    %scan3A = arith.constant 0 : i32
    %scan3A_3 = arith.constant 0 : i32
    %scan3A_4 = arith.constant 2 : i32
    %scan3A_5 = arith.addi %scan3A_3, %scan3A_4 : i32
    %scan3A_6 = arith.constant 1 : i32
    scf.for %scan3A_12 = %scan3A_3 to %scan3A_5 step %scan3A_6  : i32 {
      %mul3A_13 = arith.constant 80 : i32
      %mul3A_14 = arith.muli %add3A, %mul3A_13 : i32
      %mul3A_15 = arith.constant 40 : i32
      %mul3A_16 = arith.muli %scan3A_12, %mul3A_15 : i32
      %add3A_17 = arith.addi %mul3A_14, %mul3A_16 : i32
      "tpu.region"() ({
        %run_scoped3A = tpu.sem_alloc : memref<!tpu.dma_semaphore, #tpu.memory_space<semaphore_mem>>
        %dma_start3A_35 = arith.constant 0 : i32
        %dma_start3A_36 = tpu.memref_slice %arg3[%add3A_17, %dma_start3A_35] : memref<2560x128xi32, #tpu.memory_space<hbm>> -> memref<40x128xi32, #tpu.memory_space<hbm>>
        %dma_start3A_37 = arith.constant 0 : i32
        %dma_start3A_38 = tpu.memref_slice %arg3[%add3A_17, %dma_start3A_37] : memref<2560x128xi32, #tpu.memory_space<hbm>> -> memref<40x128xi32, #tpu.memory_space<hbm>>
        tpu.enqueue_dma source(%dma_start3A_38 : memref<40x128xi32, #tpu.memory_space<hbm>>) target(%arg7 : memref<40x128xi32, #tpu.memory_space<vmem>>) target_semaphore(%run_scoped3A : memref<!tpu.dma_semaphore, #tpu.memory_space<semaphore_mem>>)
        %dma_wait3A = arith.constant 0 : i32
        %dma_wait3A_39 = tpu.memref_slice %arg3[%add3A_17, %dma_wait3A] : memref<2560x128xi32, #tpu.memory_space<hbm>> -> memref<40x128xi32, #tpu.memory_space<hbm>>
        %dma_wait3A_40 = arith.constant 0 : i32
        %dma_wait3A_41 = tpu.memref_slice %arg3[%add3A_17, %dma_wait3A_40] : memref<2560x128xi32, #tpu.memory_space<hbm>> -> memref<40x128xi32, #tpu.memory_space<hbm>>
        tpu.wait_dma2 semaphore(%run_scoped3A : memref<!tpu.dma_semaphore, #tpu.memory_space<semaphore_mem>>) src(%dma_wait3A_41 : memref<40x128xi32, #tpu.memory_space<hbm>>) dst(%arg7 : memref<40x128xi32, #tpu.memory_space<vmem>>)
        tpu.yield
      }) : () -> ()
      "tpu.region"() ({
        %run_scoped3A = tpu.sem_alloc : memref<!tpu.dma_semaphore, #tpu.memory_space<semaphore_mem>>
        %dma_start3A_35 = arith.constant 0 : i32
        %dma_start3A_36 = tpu.memref_slice %arg4[%add3A_17, %dma_start3A_35] : memref<2560x128xi32, #tpu.memory_space<hbm>> -> memref<40x128xi32, #tpu.memory_space<hbm>>
        %dma_start3A_37 = arith.constant 0 : i32
        %dma_start3A_38 = tpu.memref_slice %arg4[%add3A_17, %dma_start3A_37] : memref<2560x128xi32, #tpu.memory_space<hbm>> -> memref<40x128xi32, #tpu.memory_space<hbm>>
        tpu.enqueue_dma source(%dma_start3A_38 : memref<40x128xi32, #tpu.memory_space<hbm>>) target(%arg8 : memref<40x128xi32, #tpu.memory_space<vmem>>) target_semaphore(%run_scoped3A : memref<!tpu.dma_semaphore, #tpu.memory_space<semaphore_mem>>)
        %dma_wait3A = arith.constant 0 : i32
        %dma_wait3A_39 = tpu.memref_slice %arg4[%add3A_17, %dma_wait3A] : memref<2560x128xi32, #tpu.memory_space<hbm>> -> memref<40x128xi32, #tpu.memory_space<hbm>>
        %dma_wait3A_40 = arith.constant 0 : i32
        %dma_wait3A_41 = tpu.memref_slice %arg4[%add3A_17, %dma_wait3A_40] : memref<2560x128xi32, #tpu.memory_space<hbm>> -> memref<40x128xi32, #tpu.memory_space<hbm>>
        tpu.wait_dma2 semaphore(%run_scoped3A : memref<!tpu.dma_semaphore, #tpu.memory_space<semaphore_mem>>) src(%dma_wait3A_41 : memref<40x128xi32, #tpu.memory_space<hbm>>) dst(%arg8 : memref<40x128xi32, #tpu.memory_space<vmem>>)
        tpu.yield
      }) : () -> ()
      %dma_start3A = arith.constant 0 : i32
      %dma_start3A_18 = arith.constant 0 : i32
      %dma_start3A_19 = arith.constant 0 : i32
      %dma_start3A_20 = arith.constant 0 : i32
      %dma_start3A_21 = tpu.memref_slice %arg9[%dma_start3A_18, %dma_start3A_19, %dma_start3A_20] : memref<2x128x128xf32, #tpu.memory_space<vmem>> -> memref<1x128x128xf32, #tpu.memory_space<vmem>>
      %dma_start3A_22 = tpu.memref_squeeze %dma_start3A_21 : memref<1x128x128xf32, #tpu.memory_space<vmem>> -> memref<128x128xf32, #tpu.memory_space<vmem>>
      %dma_start3A_23 = arith.constant 0 : i32
      %dma_start3A_24 = tpu.memref_slice %arg7[%dma_start3A, %dma_start3A_23] : memref<40x128xi32, #tpu.memory_space<vmem>> -> memref<1x128xi32, #tpu.memory_space<vmem>>
      %dma_start3A_25 = tpu.memref_squeeze %dma_start3A_24 : memref<1x128xi32, #tpu.memory_space<vmem>> -> memref<128xi32, #tpu.memory_space<vmem>>
      %dma_start3A_26 = arith.constant 0 : i32
      %dma_start3A_27 = arith.constant 0 : i32
      %dma_start3A_28 = tpu.memref_slice %arg2[%dma_start3A_26, %dma_start3A_27] : memref<10112x128xf32, #tpu.memory_space<hbm>> -> memref<10112x128xf32, #tpu.memory_space<hbm>>
      tpu.enqueue_indirect_dma source(%dma_start3A_28 : memref<10112x128xf32, #tpu.memory_space<hbm>>) target(%dma_start3A_22 : memref<128x128xf32, #tpu.memory_space<vmem>>) offsets(%dma_start3A_25 : memref<128xi32, #tpu.memory_space<vmem>>) semaphore(%arg11 : memref<!tpu.dma_semaphore, #tpu.memory_space<semaphore_mem>>)
      %scan3A_29 = arith.constant 0 : i32
      %scan3A_30 = arith.constant 0 : i32
      %scan3A_31 = arith.constant 40 : i32
      %scan3A_32 = arith.addi %scan3A_30, %scan3A_31 : i32
      %scan3A_33 = arith.constant 1 : i32
      scf.for %scan3A_35 = %scan3A_30 to %scan3A_32 step %scan3A_33  : i32 {
        %rem3A = arith.constant 2 : i32
        %rem3A_36 = arith.remsi %scan3A_35, %rem3A : i32
        %dma_wait3A = arith.constant 0 : i32
        %dma_wait3A_37 = arith.constant 0 : i32
        %dma_wait3A_38 = tpu.memref_slice %arg9[%rem3A_36, %dma_wait3A, %dma_wait3A_37] : memref<2x128x128xf32, #tpu.memory_space<vmem>> -> memref<1x128x128xf32, #tpu.memory_space<vmem>>
        %dma_wait3A_39 = tpu.memref_squeeze %dma_wait3A_38 : memref<1x128x128xf32, #tpu.memory_space<vmem>> -> memref<128x128xf32, #tpu.memory_space<vmem>>
        %dma_wait3A_40 = arith.constant 0 : i32
        %dma_wait3A_41 = tpu.memref_slice %arg7[%scan3A_35, %dma_wait3A_40] : memref<40x128xi32, #tpu.memory_space<vmem>> -> memref<1x128xi32, #tpu.memory_space<vmem>>
        %dma_wait3A_42 = tpu.memref_squeeze %dma_wait3A_41 : memref<1x128xi32, #tpu.memory_space<vmem>> -> memref<128xi32, #tpu.memory_space<vmem>>
        %dma_wait3A_43 = arith.constant 0 : i32
        %dma_wait3A_44 = arith.constant 0 : i32
        %dma_wait3A_45 = tpu.memref_slice %arg2[%dma_wait3A_43, %dma_wait3A_44] : memref<10112x128xf32, #tpu.memory_space<hbm>> -> memref<10112x128xf32, #tpu.memory_space<hbm>>
        tpu.wait_indirect_dma semaphore(%arg11 : memref<!tpu.dma_semaphore, #tpu.memory_space<semaphore_mem>>) src(%dma_wait3A_45 : memref<10112x128xf32, #tpu.memory_space<hbm>>) dst(%dma_wait3A_39 : memref<128x128xf32, #tpu.memory_space<vmem>>)
        %add3A_46 = arith.constant 1 : i32
        %add3A_47 = arith.addi %scan3A_35, %add3A_46 : i32
        %lt3A = arith.constant 40 : i32
        %lt3A_48 = arith.cmpi slt, %add3A_47, %lt3A : i32
        %convert_element_type3A = arith.extui %lt3A_48 : i1 to i32
        %cond3A = arith.constant 0 : i32
        %cond3A_49 = arith.cmpi ne, %convert_element_type3A, %cond3A : i32
        scf.if %cond3A_49 {
          %add3A_50 = arith.constant 1 : i32
          %add3A_51 = arith.addi %scan3A_35, %add3A_50 : i32
          %sub3A = arith.constant 1 : i32
          %sub3A_52 = arith.subi %sub3A, %rem3A_36 : i32
          %dma_start3A_53 = arith.constant 0 : i32
          %dma_start3A_54 = arith.constant 0 : i32
          %dma_start3A_55 = tpu.memref_slice %arg9[%sub3A_52, %dma_start3A_53, %dma_start3A_54] : memref<2x128x128xf32, #tpu.memory_space<vmem>> -> memref<1x128x128xf32, #tpu.memory_space<vmem>>
          %dma_start3A_56 = tpu.memref_squeeze %dma_start3A_55 : memref<1x128x128xf32, #tpu.memory_space<vmem>> -> memref<128x128xf32, #tpu.memory_space<vmem>>
          %dma_start3A_57 = arith.constant 0 : i32
          %dma_start3A_58 = tpu.memref_slice %arg7[%add3A_51, %dma_start3A_57] : memref<40x128xi32, #tpu.memory_space<vmem>> -> memref<1x128xi32, #tpu.memory_space<vmem>>
          %dma_start3A_59 = tpu.memref_squeeze %dma_start3A_58 : memref<1x128xi32, #tpu.memory_space<vmem>> -> memref<128xi32, #tpu.memory_space<vmem>>
          %dma_start3A_60 = arith.constant 0 : i32
          %dma_start3A_61 = arith.constant 0 : i32
          %dma_start3A_62 = tpu.memref_slice %arg2[%dma_start3A_60, %dma_start3A_61] : memref<10112x128xf32, #tpu.memory_space<hbm>> -> memref<10112x128xf32, #tpu.memory_space<hbm>>
          tpu.enqueue_indirect_dma source(%dma_start3A_62 : memref<10112x128xf32, #tpu.memory_space<hbm>>) target(%dma_start3A_56 : memref<128x128xf32, #tpu.memory_space<vmem>>) offsets(%dma_start3A_59 : memref<128xi32, #tpu.memory_space<vmem>>) semaphore(%arg11 : memref<!tpu.dma_semaphore, #tpu.memory_space<semaphore_mem>>)
        } else {
        }
        "tpu.region"() ({
          %run_scoped3A = tpu.sem_alloc : memref<!tpu.dma_semaphore, #tpu.memory_space<semaphore_mem>>
          %dma_start3A_50 = arith.constant 0 : i32
          %dma_start3A_51 = arith.constant 0 : i32
          %dma_start3A_52 = tpu.memref_slice %arg9[%rem3A_36, %dma_start3A_50, %dma_start3A_51] : memref<2x128x128xf32, #tpu.memory_space<vmem>> -> memref<1x128x128xf32, #tpu.memory_space<vmem>>
          %dma_start3A_53 = tpu.memref_squeeze %dma_start3A_52 : memref<1x128x128xf32, #tpu.memory_space<vmem>> -> memref<128x128xf32, #tpu.memory_space<vmem>>
          %dma_start3A_54 = arith.constant 0 : i32
          %dma_start3A_55 = tpu.memref_slice %arg8[%scan3A_35, %dma_start3A_54] : memref<40x128xi32, #tpu.memory_space<vmem>> -> memref<1x128xi32, #tpu.memory_space<vmem>>
          %dma_start3A_56 = tpu.memref_squeeze %dma_start3A_55 : memref<1x128xi32, #tpu.memory_space<vmem>> -> memref<128xi32, #tpu.memory_space<vmem>>
          %dma_start3A_57 = arith.constant 0 : i32
          %dma_start3A_58 = arith.constant 0 : i32
          %dma_start3A_59 = tpu.memref_slice %arg10[%dma_start3A_57, %dma_start3A_58] : memref<10112x128xf32, #tpu.memory_space<vmem_shared>> -> memref<10112x128xf32, #tpu.memory_space<vmem_shared>>
          tpu.enqueue_indirect_dma source(%dma_start3A_53 : memref<128x128xf32, #tpu.memory_space<vmem>>) target(%dma_start3A_59 : memref<10112x128xf32, #tpu.memory_space<vmem_shared>>) offsets(%dma_start3A_56 : memref<128xi32, #tpu.memory_space<vmem>>) semaphore(%run_scoped3A : memref<!tpu.dma_semaphore, #tpu.memory_space<semaphore_mem>>) {add = true}
          %dma_wait3A_60 = arith.constant 0 : i32
          %dma_wait3A_61 = arith.constant 0 : i32
          %dma_wait3A_62 = tpu.memref_slice %arg9[%rem3A_36, %dma_wait3A_60, %dma_wait3A_61] : memref<2x128x128xf32, #tpu.memory_space<vmem>> -> memref<1x128x128xf32, #tpu.memory_space<vmem>>
          %dma_wait3A_63 = tpu.memref_squeeze %dma_wait3A_62 : memref<1x128x128xf32, #tpu.memory_space<vmem>> -> memref<128x128xf32, #tpu.memory_space<vmem>>
          %dma_wait3A_64 = arith.constant 0 : i32
          %dma_wait3A_65 = tpu.memref_slice %arg8[%scan3A_35, %dma_wait3A_64] : memref<40x128xi32, #tpu.memory_space<vmem>> -> memref<1x128xi32, #tpu.memory_space<vmem>>
          %dma_wait3A_66 = tpu.memref_squeeze %dma_wait3A_65 : memref<1x128xi32, #tpu.memory_space<vmem>> -> memref<128xi32, #tpu.memory_space<vmem>>
          %dma_wait3A_67 = arith.constant 0 : i32
          %dma_wait3A_68 = arith.constant 0 : i32
          %dma_wait3A_69 = tpu.memref_slice %arg10[%dma_wait3A_67, %dma_wait3A_68] : memref<10112x128xf32, #tpu.memory_space<vmem_shared>> -> memref<10112x128xf32, #tpu.memory_space<vmem_shared>>
          tpu.wait_indirect_dma semaphore(%run_scoped3A : memref<!tpu.dma_semaphore, #tpu.memory_space<semaphore_mem>>) src(%dma_wait3A_63 : memref<128x128xf32, #tpu.memory_space<vmem>>) dst(%dma_wait3A_69 : memref<10112x128xf32, #tpu.memory_space<vmem_shared>>)
          tpu.yield
        }) : () -> ()
      }
      %scan3A_34 = arith.constant 40 : i32
    }
    %scan3A_7 = arith.constant 2 : i32
    %barrier3A_8 = arith.constant 0 : index
    tpu.barrier barrier_id(%barrier3A_8)
    %mul3A_9 = arith.constant 10112 : i32
    %mul3A_10 = arith.muli %arg0, %mul3A_9 : i32
    %add3A_11 = arith.addi %mul3A_10, %mul3A_2 : i32
    "tpu.region"() ({
      %run_scoped3A = tpu.sem_alloc : memref<!tpu.dma_semaphore, #tpu.memory_space<semaphore_mem>>
      %dma_start3A = arith.constant 0 : i32
      %dma_start3A_12 = tpu.memref_slice %arg6[%add3A_11, %dma_start3A] : memref<20224x128xf32, #tpu.memory_space<hbm>> -> memref<632x128xf32, #tpu.memory_space<hbm>>
      %dma_start3A_13 = arith.constant 0 : i32
      %dma_start3A_14 = tpu.memref_slice %arg10[%mul3A_2, %dma_start3A_13] : memref<10112x128xf32, #tpu.memory_space<vmem_shared>> -> memref<632x128xf32, #tpu.memory_space<vmem_shared>>
      tpu.enqueue_dma source(%dma_start3A_14 : memref<632x128xf32, #tpu.memory_space<vmem_shared>>) target(%dma_start3A_12 : memref<632x128xf32, #tpu.memory_space<hbm>>) target_semaphore(%run_scoped3A : memref<!tpu.dma_semaphore, #tpu.memory_space<semaphore_mem>>)
      %dma_wait3A = arith.constant 0 : i32
      %dma_wait3A_15 = tpu.memref_slice %arg6[%add3A_11, %dma_wait3A] : memref<20224x128xf32, #tpu.memory_space<hbm>> -> memref<632x128xf32, #tpu.memory_space<hbm>>
      %dma_wait3A_16 = arith.constant 0 : i32
      %dma_wait3A_17 = tpu.memref_slice %arg10[%mul3A_2, %dma_wait3A_16] : memref<10112x128xf32, #tpu.memory_space<vmem_shared>> -> memref<632x128xf32, #tpu.memory_space<vmem_shared>>
      tpu.wait_dma2 semaphore(%run_scoped3A : memref<!tpu.dma_semaphore, #tpu.memory_space<semaphore_mem>>) src(%dma_wait3A_17 : memref<632x128xf32, #tpu.memory_space<vmem_shared>>) dst(%dma_wait3A_15 : memref<632x128xf32, #tpu.memory_space<hbm>>)
      tpu.yield
    }) : () -> ()
    return
  }
}

#map = affine_map<(d0, d1) -> (0, 0)>
module attributes {stable_mosaic.version = 14 : i64} {
  func.func @_agg_body(%arg0: i32, %arg1: i32, %arg2: memref<10112x128xf32, #tpu.memory_space<hbm>>, %arg3: memref<2560x128xi32, #tpu.memory_space<hbm>>, %arg4: memref<2560x128xi32, #tpu.memory_space<hbm>>, %arg5: memref<632x128xf32, #tpu.memory_space<hbm>>, %arg6: memref<20224x128xf32, #tpu.memory_space<hbm>>, %arg7: memref<40x128xi32, #tpu.memory_space<vmem>>, %arg8: memref<40x128xi32, #tpu.memory_space<vmem>>, %arg9: memref<2x128x128xf32, #tpu.memory_space<vmem>>, %arg10: memref<10112x128xf32, #tpu.memory_space<vmem_shared>>, %arg11: memref<!tpu.dma_semaphore, #tpu.memory_space<semaphore_mem>>) attributes {dimension_semantics = [#tpu.dimension_semantics<core_parallel>, #tpu.dimension_semantics<subcore_parallel>], iteration_bounds = array<i64: 2, 16>, scalar_prefetch = 0 : i64, scratch_operands = 5 : i64, tpu.core_type = #tpu.core_type<sc_vector_subcore>, window_params = [{transform_indices = #map}, {transform_indices = #map}, {transform_indices = #map}, {transform_indices = #map}, {transform_indices = #map}]} {
    %mul3A = arith.constant 16 : i32
    %mul3A_0 = arith.muli %arg0, %mul3A : i32
    %add3A = arith.addi %mul3A_0, %arg1 : i32
    %mul3A_1 = arith.constant 632 : i32
    %mul3A_2 = arith.muli %arg1, %mul3A_1 : i32
    "tpu.region"() ({
      %run_scoped3A = tpu.sem_alloc : memref<!tpu.dma_semaphore, #tpu.memory_space<semaphore_mem>>
      %dma_start3A = arith.constant 0 : i32
      %dma_start3A_12 = tpu.memref_slice %arg10[%mul3A_2, %dma_start3A] : memref<10112x128xf32, #tpu.memory_space<vmem_shared>> -> memref<632x128xf32, #tpu.memory_space<vmem_shared>>
      tpu.enqueue_dma source(%arg5 : memref<632x128xf32, #tpu.memory_space<hbm>>) target(%dma_start3A_12 : memref<632x128xf32, #tpu.memory_space<vmem_shared>>) target_semaphore(%run_scoped3A : memref<!tpu.dma_semaphore, #tpu.memory_space<semaphore_mem>>)
      %dma_wait3A = arith.constant 0 : i32
      %dma_wait3A_13 = tpu.memref_slice %arg10[%mul3A_2, %dma_wait3A] : memref<10112x128xf32, #tpu.memory_space<vmem_shared>> -> memref<632x128xf32, #tpu.memory_space<vmem_shared>>
      tpu.wait_dma2 semaphore(%run_scoped3A : memref<!tpu.dma_semaphore, #tpu.memory_space<semaphore_mem>>) src(%arg5 : memref<632x128xf32, #tpu.memory_space<hbm>>) dst(%dma_wait3A_13 : memref<632x128xf32, #tpu.memory_space<vmem_shared>>)
      tpu.yield
    }) : () -> ()
    %barrier3A = arith.constant 0 : index
    tpu.barrier barrier_id(%barrier3A)
    %scan3A = arith.constant 0 : i32
    %scan3A_3 = arith.constant 0 : i32
    %scan3A_4 = arith.constant 2 : i32
    %scan3A_5 = arith.addi %scan3A_3, %scan3A_4 : i32
    %scan3A_6 = arith.constant 1 : i32
    scf.for %scan3A_12 = %scan3A_3 to %scan3A_5 step %scan3A_6  : i32 {
      %mul3A_13 = arith.constant 80 : i32
      %mul3A_14 = arith.muli %add3A, %mul3A_13 : i32
      %mul3A_15 = arith.constant 40 : i32
      %mul3A_16 = arith.muli %scan3A_12, %mul3A_15 : i32
      %add3A_17 = arith.addi %mul3A_14, %mul3A_16 : i32
      "tpu.region"() ({
        %run_scoped3A = tpu.sem_alloc : memref<!tpu.dma_semaphore, #tpu.memory_space<semaphore_mem>>
        %dma_start3A_35 = arith.constant 0 : i32
        %dma_start3A_36 = tpu.memref_slice %arg3[%add3A_17, %dma_start3A_35] : memref<2560x128xi32, #tpu.memory_space<hbm>> -> memref<40x128xi32, #tpu.memory_space<hbm>>
        %dma_start3A_37 = arith.constant 0 : i32
        %dma_start3A_38 = tpu.memref_slice %arg3[%add3A_17, %dma_start3A_37] : memref<2560x128xi32, #tpu.memory_space<hbm>> -> memref<40x128xi32, #tpu.memory_space<hbm>>
        tpu.enqueue_dma source(%dma_start3A_38 : memref<40x128xi32, #tpu.memory_space<hbm>>) target(%arg7 : memref<40x128xi32, #tpu.memory_space<vmem>>) target_semaphore(%run_scoped3A : memref<!tpu.dma_semaphore, #tpu.memory_space<semaphore_mem>>)
        %dma_wait3A = arith.constant 0 : i32
        %dma_wait3A_39 = tpu.memref_slice %arg3[%add3A_17, %dma_wait3A] : memref<2560x128xi32, #tpu.memory_space<hbm>> -> memref<40x128xi32, #tpu.memory_space<hbm>>
        %dma_wait3A_40 = arith.constant 0 : i32
        %dma_wait3A_41 = tpu.memref_slice %arg3[%add3A_17, %dma_wait3A_40] : memref<2560x128xi32, #tpu.memory_space<hbm>> -> memref<40x128xi32, #tpu.memory_space<hbm>>
        tpu.wait_dma2 semaphore(%run_scoped3A : memref<!tpu.dma_semaphore, #tpu.memory_space<semaphore_mem>>) src(%dma_wait3A_41 : memref<40x128xi32, #tpu.memory_space<hbm>>) dst(%arg7 : memref<40x128xi32, #tpu.memory_space<vmem>>)
        tpu.yield
      }) : () -> ()
      "tpu.region"() ({
        %run_scoped3A = tpu.sem_alloc : memref<!tpu.dma_semaphore, #tpu.memory_space<semaphore_mem>>
        %dma_start3A_35 = arith.constant 0 : i32
        %dma_start3A_36 = tpu.memref_slice %arg4[%add3A_17, %dma_start3A_35] : memref<2560x128xi32, #tpu.memory_space<hbm>> -> memref<40x128xi32, #tpu.memory_space<hbm>>
        %dma_start3A_37 = arith.constant 0 : i32
        %dma_start3A_38 = tpu.memref_slice %arg4[%add3A_17, %dma_start3A_37] : memref<2560x128xi32, #tpu.memory_space<hbm>> -> memref<40x128xi32, #tpu.memory_space<hbm>>
        tpu.enqueue_dma source(%dma_start3A_38 : memref<40x128xi32, #tpu.memory_space<hbm>>) target(%arg8 : memref<40x128xi32, #tpu.memory_space<vmem>>) target_semaphore(%run_scoped3A : memref<!tpu.dma_semaphore, #tpu.memory_space<semaphore_mem>>)
        %dma_wait3A = arith.constant 0 : i32
        %dma_wait3A_39 = tpu.memref_slice %arg4[%add3A_17, %dma_wait3A] : memref<2560x128xi32, #tpu.memory_space<hbm>> -> memref<40x128xi32, #tpu.memory_space<hbm>>
        %dma_wait3A_40 = arith.constant 0 : i32
        %dma_wait3A_41 = tpu.memref_slice %arg4[%add3A_17, %dma_wait3A_40] : memref<2560x128xi32, #tpu.memory_space<hbm>> -> memref<40x128xi32, #tpu.memory_space<hbm>>
        tpu.wait_dma2 semaphore(%run_scoped3A : memref<!tpu.dma_semaphore, #tpu.memory_space<semaphore_mem>>) src(%dma_wait3A_41 : memref<40x128xi32, #tpu.memory_space<hbm>>) dst(%arg8 : memref<40x128xi32, #tpu.memory_space<vmem>>)
        tpu.yield
      }) : () -> ()
      %dma_start3A = arith.constant 0 : i32
      %dma_start3A_18 = arith.constant 0 : i32
      %dma_start3A_19 = arith.constant 0 : i32
      %dma_start3A_20 = arith.constant 0 : i32
      %dma_start3A_21 = tpu.memref_slice %arg9[%dma_start3A_18, %dma_start3A_19, %dma_start3A_20] : memref<2x128x128xf32, #tpu.memory_space<vmem>> -> memref<1x128x128xf32, #tpu.memory_space<vmem>>
      %dma_start3A_22 = tpu.memref_squeeze %dma_start3A_21 : memref<1x128x128xf32, #tpu.memory_space<vmem>> -> memref<128x128xf32, #tpu.memory_space<vmem>>
      %dma_start3A_23 = arith.constant 0 : i32
      %dma_start3A_24 = tpu.memref_slice %arg7[%dma_start3A, %dma_start3A_23] : memref<40x128xi32, #tpu.memory_space<vmem>> -> memref<1x128xi32, #tpu.memory_space<vmem>>
      %dma_start3A_25 = tpu.memref_squeeze %dma_start3A_24 : memref<1x128xi32, #tpu.memory_space<vmem>> -> memref<128xi32, #tpu.memory_space<vmem>>
      %dma_start3A_26 = arith.constant 0 : i32
      %dma_start3A_27 = arith.constant 0 : i32
      %dma_start3A_28 = tpu.memref_slice %arg2[%dma_start3A_26, %dma_start3A_27] : memref<10112x128xf32, #tpu.memory_space<hbm>> -> memref<10112x128xf32, #tpu.memory_space<hbm>>
      tpu.enqueue_indirect_dma source(%dma_start3A_28 : memref<10112x128xf32, #tpu.memory_space<hbm>>) target(%dma_start3A_22 : memref<128x128xf32, #tpu.memory_space<vmem>>) offsets(%dma_start3A_25 : memref<128xi32, #tpu.memory_space<vmem>>) semaphore(%arg11 : memref<!tpu.dma_semaphore, #tpu.memory_space<semaphore_mem>>)
      %scan3A_29 = arith.constant 0 : i32
      %scan3A_30 = arith.constant 0 : i32
      %scan3A_31 = arith.constant 40 : i32
      %scan3A_32 = arith.addi %scan3A_30, %scan3A_31 : i32
      %scan3A_33 = arith.constant 1 : i32
      scf.for %scan3A_35 = %scan3A_30 to %scan3A_32 step %scan3A_33  : i32 {
        %rem3A = arith.constant 2 : i32
        %rem3A_36 = arith.remsi %scan3A_35, %rem3A : i32
        %dma_wait3A = arith.constant 0 : i32
        %dma_wait3A_37 = arith.constant 0 : i32
        %dma_wait3A_38 = tpu.memref_slice %arg9[%rem3A_36, %dma_wait3A, %dma_wait3A_37] : memref<2x128x128xf32, #tpu.memory_space<vmem>> -> memref<1x128x128xf32, #tpu.memory_space<vmem>>
        %dma_wait3A_39 = tpu.memref_squeeze %dma_wait3A_38 : memref<1x128x128xf32, #tpu.memory_space<vmem>> -> memref<128x128xf32, #tpu.memory_space<vmem>>
        %dma_wait3A_40 = arith.constant 0 : i32
        %dma_wait3A_41 = tpu.memref_slice %arg7[%scan3A_35, %dma_wait3A_40] : memref<40x128xi32, #tpu.memory_space<vmem>> -> memref<1x128xi32, #tpu.memory_space<vmem>>
        %dma_wait3A_42 = tpu.memref_squeeze %dma_wait3A_41 : memref<1x128xi32, #tpu.memory_space<vmem>> -> memref<128xi32, #tpu.memory_space<vmem>>
        %dma_wait3A_43 = arith.constant 0 : i32
        %dma_wait3A_44 = arith.constant 0 : i32
        %dma_wait3A_45 = tpu.memref_slice %arg2[%dma_wait3A_43, %dma_wait3A_44] : memref<10112x128xf32, #tpu.memory_space<hbm>> -> memref<10112x128xf32, #tpu.memory_space<hbm>>
        tpu.wait_indirect_dma semaphore(%arg11 : memref<!tpu.dma_semaphore, #tpu.memory_space<semaphore_mem>>) src(%dma_wait3A_45 : memref<10112x128xf32, #tpu.memory_space<hbm>>) dst(%dma_wait3A_39 : memref<128x128xf32, #tpu.memory_space<vmem>>)
        %add3A_46 = arith.constant 1 : i32
        %add3A_47 = arith.addi %scan3A_35, %add3A_46 : i32
        %lt3A = arith.constant 40 : i32
        %lt3A_48 = arith.cmpi slt, %add3A_47, %lt3A : i32
        %convert_element_type3A = arith.extui %lt3A_48 : i1 to i32
        %cond3A = arith.constant 0 : i32
        %cond3A_49 = arith.cmpi ne, %convert_element_type3A, %cond3A : i32
        scf.if %cond3A_49 {
          %add3A_50 = arith.constant 1 : i32
          %add3A_51 = arith.addi %scan3A_35, %add3A_50 : i32
          %sub3A = arith.constant 1 : i32
          %sub3A_52 = arith.subi %sub3A, %rem3A_36 : i32
          %dma_start3A_53 = arith.constant 0 : i32
          %dma_start3A_54 = arith.constant 0 : i32
          %dma_start3A_55 = tpu.memref_slice %arg9[%sub3A_52, %dma_start3A_53, %dma_start3A_54] : memref<2x128x128xf32, #tpu.memory_space<vmem>> -> memref<1x128x128xf32, #tpu.memory_space<vmem>>
          %dma_start3A_56 = tpu.memref_squeeze %dma_start3A_55 : memref<1x128x128xf32, #tpu.memory_space<vmem>> -> memref<128x128xf32, #tpu.memory_space<vmem>>
          %dma_start3A_57 = arith.constant 0 : i32
          %dma_start3A_58 = tpu.memref_slice %arg7[%add3A_51, %dma_start3A_57] : memref<40x128xi32, #tpu.memory_space<vmem>> -> memref<1x128xi32, #tpu.memory_space<vmem>>
          %dma_start3A_59 = tpu.memref_squeeze %dma_start3A_58 : memref<1x128xi32, #tpu.memory_space<vmem>> -> memref<128xi32, #tpu.memory_space<vmem>>
          %dma_start3A_60 = arith.constant 0 : i32
          %dma_start3A_61 = arith.constant 0 : i32
          %dma_start3A_62 = tpu.memref_slice %arg2[%dma_start3A_60, %dma_start3A_61] : memref<10112x128xf32, #tpu.memory_space<hbm>> -> memref<10112x128xf32, #tpu.memory_space<hbm>>
          tpu.enqueue_indirect_dma source(%dma_start3A_62 : memref<10112x128xf32, #tpu.memory_space<hbm>>) target(%dma_start3A_56 : memref<128x128xf32, #tpu.memory_space<vmem>>) offsets(%dma_start3A_59 : memref<128xi32, #tpu.memory_space<vmem>>) semaphore(%arg11 : memref<!tpu.dma_semaphore, #tpu.memory_space<semaphore_mem>>)
        } else {
        }
        "tpu.region"() ({
          %run_scoped3A = tpu.sem_alloc : memref<!tpu.dma_semaphore, #tpu.memory_space<semaphore_mem>>
          %dma_start3A_50 = arith.constant 0 : i32
          %dma_start3A_51 = arith.constant 0 : i32
          %dma_start3A_52 = tpu.memref_slice %arg9[%rem3A_36, %dma_start3A_50, %dma_start3A_51] : memref<2x128x128xf32, #tpu.memory_space<vmem>> -> memref<1x128x128xf32, #tpu.memory_space<vmem>>
          %dma_start3A_53 = tpu.memref_squeeze %dma_start3A_52 : memref<1x128x128xf32, #tpu.memory_space<vmem>> -> memref<128x128xf32, #tpu.memory_space<vmem>>
          %dma_start3A_54 = arith.constant 0 : i32
          %dma_start3A_55 = tpu.memref_slice %arg8[%scan3A_35, %dma_start3A_54] : memref<40x128xi32, #tpu.memory_space<vmem>> -> memref<1x128xi32, #tpu.memory_space<vmem>>
          %dma_start3A_56 = tpu.memref_squeeze %dma_start3A_55 : memref<1x128xi32, #tpu.memory_space<vmem>> -> memref<128xi32, #tpu.memory_space<vmem>>
          %dma_start3A_57 = arith.constant 0 : i32
          %dma_start3A_58 = arith.constant 0 : i32
          %dma_start3A_59 = tpu.memref_slice %arg10[%dma_start3A_57, %dma_start3A_58] : memref<10112x128xf32, #tpu.memory_space<vmem_shared>> -> memref<10112x128xf32, #tpu.memory_space<vmem_shared>>
          tpu.enqueue_indirect_dma source(%dma_start3A_53 : memref<128x128xf32, #tpu.memory_space<vmem>>) target(%dma_start3A_59 : memref<10112x128xf32, #tpu.memory_space<vmem_shared>>) offsets(%dma_start3A_56 : memref<128xi32, #tpu.memory_space<vmem>>) semaphore(%run_scoped3A : memref<!tpu.dma_semaphore, #tpu.memory_space<semaphore_mem>>) {add = true}
          %dma_wait3A_60 = arith.constant 0 : i32
          %dma_wait3A_61 = arith.constant 0 : i32
          %dma_wait3A_62 = tpu.memref_slice %arg9[%rem3A_36, %dma_wait3A_60, %dma_wait3A_61] : memref<2x128x128xf32, #tpu.memory_space<vmem>> -> memref<1x128x128xf32, #tpu.memory_space<vmem>>
          %dma_wait3A_63 = tpu.memref_squeeze %dma_wait3A_62 : memref<1x128x128xf32, #tpu.memory_space<vmem>> -> memref<128x128xf32, #tpu.memory_space<vmem>>
          %dma_wait3A_64 = arith.constant 0 : i32
          %dma_wait3A_65 = tpu.memref_slice %arg8[%scan3A_35, %dma_wait3A_64] : memref<40x128xi32, #tpu.memory_space<vmem>> -> memref<1x128xi32, #tpu.memory_space<vmem>>
          %dma_wait3A_66 = tpu.memref_squeeze %dma_wait3A_65 : memref<1x128xi32, #tpu.memory_space<vmem>> -> memref<128xi32, #tpu.memory_space<vmem>>
          %dma_wait3A_67 = arith.constant 0 : i32
          %dma_wait3A_68 = arith.constant 0 : i32
          %dma_wait3A_69 = tpu.memref_slice %arg10[%dma_wait3A_67, %dma_wait3A_68] : memref<10112x128xf32, #tpu.memory_space<vmem_shared>> -> memref<10112x128xf32, #tpu.memory_space<vmem_shared>>
          tpu.wait_indirect_dma semaphore(%run_scoped3A : memref<!tpu.dma_semaphore, #tpu.memory_space<semaphore_mem>>) src(%dma_wait3A_63 : memref<128x128xf32, #tpu.memory_space<vmem>>) dst(%dma_wait3A_69 : memref<10112x128xf32, #tpu.memory_space<vmem_shared>>)
          tpu.yield
        }) : () -> ()
      }
      %scan3A_34 = arith.constant 40 : i32
    }
    %scan3A_7 = arith.constant 2 : i32
    %barrier3A_8 = arith.constant 0 : index
    tpu.barrier barrier_id(%barrier3A_8)
    %mul3A_9 = arith.constant 10112 : i32
    %mul3A_10 = arith.muli %arg0, %mul3A_9 : i32
    %add3A_11 = arith.addi %mul3A_10, %mul3A_2 : i32
    "tpu.region"() ({
      %run_scoped3A = tpu.sem_alloc : memref<!tpu.dma_semaphore, #tpu.memory_space<semaphore_mem>>
      %dma_start3A = arith.constant 0 : i32
      %dma_start3A_12 = tpu.memref_slice %arg6[%add3A_11, %dma_start3A] : memref<20224x128xf32, #tpu.memory_space<hbm>> -> memref<632x128xf32, #tpu.memory_space<hbm>>
      %dma_start3A_13 = arith.constant 0 : i32
      %dma_start3A_14 = tpu.memref_slice %arg10[%mul3A_2, %dma_start3A_13] : memref<10112x128xf32, #tpu.memory_space<vmem_shared>> -> memref<632x128xf32, #tpu.memory_space<vmem_shared>>
      tpu.enqueue_dma source(%dma_start3A_14 : memref<632x128xf32, #tpu.memory_space<vmem_shared>>) target(%dma_start3A_12 : memref<632x128xf32, #tpu.memory_space<hbm>>) target_semaphore(%run_scoped3A : memref<!tpu.dma_semaphore, #tpu.memory_space<semaphore_mem>>)
      %dma_wait3A = arith.constant 0 : i32
      %dma_wait3A_15 = tpu.memref_slice %arg6[%add3A_11, %dma_wait3A] : memref<20224x128xf32, #tpu.memory_space<hbm>> -> memref<632x128xf32, #tpu.memory_space<hbm>>
      %dma_wait3A_16 = arith.constant 0 : i32
      %dma_wait3A_17 = tpu.memref_slice %arg10[%mul3A_2, %dma_wait3A_16] : memref<10112x128xf32, #tpu.memory_space<vmem_shared>> -> memref<632x128xf32, #tpu.memory_space<vmem_shared>>
      tpu.wait_dma2 semaphore(%run_scoped3A : memref<!tpu.dma_semaphore, #tpu.memory_space<semaphore_mem>>) src(%dma_wait3A_17 : memref<632x128xf32, #tpu.memory_space<vmem_shared>>) dst(%dma_wait3A_15 : memref<632x128xf32, #tpu.memory_space<hbm>>)
      tpu.yield
    }) : () -> ()
    return
  }
}

#map = affine_map<(d0, d1) -> (0, 0)>
module attributes {stable_mosaic.version = 14 : i64} {
  func.func @_count_body(%arg0: i32, %arg1: i32, %arg2: memref<2560x128xi32, #tpu.memory_space<hbm>>, %arg3: memref<632x128xf32, #tpu.memory_space<hbm>>, %arg4: memref<128x128xf32, #tpu.memory_space<hbm>>, %arg5: memref<20224x128xf32, #tpu.memory_space<hbm>>, %arg6: memref<2x40x128xi32, #tpu.memory_space<vmem>>, %arg7: memref<128x128xf32, #tpu.memory_space<vmem>>, %arg8: memref<10112x128xf32, #tpu.memory_space<vmem_shared>>, %arg9: memref<!tpu.dma_semaphore, #tpu.memory_space<semaphore_mem>>) attributes {dimension_semantics = [#tpu.dimension_semantics<core_parallel>, #tpu.dimension_semantics<subcore_parallel>], iteration_bounds = array<i64: 2, 16>, scalar_prefetch = 0 : i64, scratch_operands = 4 : i64, tpu.core_type = #tpu.core_type<sc_vector_subcore>, window_params = [{transform_indices = #map}, {transform_indices = #map}, {transform_indices = #map}, {transform_indices = #map}]} {
    %mul3A = arith.constant 16 : i32
    %mul3A_0 = arith.muli %arg0, %mul3A : i32
    %add3A = arith.addi %mul3A_0, %arg1 : i32
    %mul3A_1 = arith.constant 632 : i32
    %mul3A_2 = arith.muli %arg1, %mul3A_1 : i32
    "tpu.region"() ({
      %run_scoped3A_14 = tpu.sem_alloc : memref<!tpu.dma_semaphore, #tpu.memory_space<semaphore_mem>>
      %dma_start3A = arith.constant 0 : i32
      %dma_start3A_15 = tpu.memref_slice %arg8[%mul3A_2, %dma_start3A] : memref<10112x128xf32, #tpu.memory_space<vmem_shared>> -> memref<632x128xf32, #tpu.memory_space<vmem_shared>>
      tpu.enqueue_dma source(%arg3 : memref<632x128xf32, #tpu.memory_space<hbm>>) target(%dma_start3A_15 : memref<632x128xf32, #tpu.memory_space<vmem_shared>>) target_semaphore(%run_scoped3A_14 : memref<!tpu.dma_semaphore, #tpu.memory_space<semaphore_mem>>)
      %dma_wait3A = arith.constant 0 : i32
      %dma_wait3A_16 = tpu.memref_slice %arg8[%mul3A_2, %dma_wait3A] : memref<10112x128xf32, #tpu.memory_space<vmem_shared>> -> memref<632x128xf32, #tpu.memory_space<vmem_shared>>
      tpu.wait_dma2 semaphore(%run_scoped3A_14 : memref<!tpu.dma_semaphore, #tpu.memory_space<semaphore_mem>>) src(%arg3 : memref<632x128xf32, #tpu.memory_space<hbm>>) dst(%dma_wait3A_16 : memref<632x128xf32, #tpu.memory_space<vmem_shared>>)
      tpu.yield
    }) : () -> ()
    "tpu.region"() ({
      %run_scoped3A_14 = tpu.sem_alloc : memref<!tpu.dma_semaphore, #tpu.memory_space<semaphore_mem>>
      tpu.enqueue_dma source(%arg4 : memref<128x128xf32, #tpu.memory_space<hbm>>) target(%arg7 : memref<128x128xf32, #tpu.memory_space<vmem>>) target_semaphore(%run_scoped3A_14 : memref<!tpu.dma_semaphore, #tpu.memory_space<semaphore_mem>>)
      tpu.wait_dma2 semaphore(%run_scoped3A_14 : memref<!tpu.dma_semaphore, #tpu.memory_space<semaphore_mem>>) src(%arg4 : memref<128x128xf32, #tpu.memory_space<hbm>>) dst(%arg7 : memref<128x128xf32, #tpu.memory_space<vmem>>)
      tpu.yield
    }) : () -> ()
    %barrier3A = arith.constant 0 : index
    tpu.barrier barrier_id(%barrier3A)
    %mul3A_3 = arith.constant 80 : i32
    %mul3A_4 = arith.muli %add3A, %mul3A_3 : i32
    %run_scoped3A = arith.constant 0 : i32
    "tpu.region"() ({
      %run_scoped3A_14 = tpu.sem_alloc : memref<!tpu.dma_semaphore, #tpu.memory_space<semaphore_mem>>
      %dma_start3A = arith.constant 0 : i32
      %dma_start3A_15 = arith.constant 0 : i32
      %dma_start3A_16 = tpu.memref_slice %arg6[%run_scoped3A, %dma_start3A, %dma_start3A_15] : memref<2x40x128xi32, #tpu.memory_space<vmem>> -> memref<1x40x128xi32, #tpu.memory_space<vmem>>
      %dma_start3A_17 = tpu.memref_squeeze %dma_start3A_16 : memref<1x40x128xi32, #tpu.memory_space<vmem>> -> memref<40x128xi32, #tpu.memory_space<vmem>>
      %dma_start3A_18 = arith.constant 0 : i32
      %dma_start3A_19 = tpu.memref_slice %arg2[%mul3A_4, %dma_start3A_18] : memref<2560x128xi32, #tpu.memory_space<hbm>> -> memref<40x128xi32, #tpu.memory_space<hbm>>
      %dma_start3A_20 = arith.constant 0 : i32
      %dma_start3A_21 = arith.constant 0 : i32
      %dma_start3A_22 = tpu.memref_slice %arg6[%run_scoped3A, %dma_start3A_20, %dma_start3A_21] : memref<2x40x128xi32, #tpu.memory_space<vmem>> -> memref<1x40x128xi32, #tpu.memory_space<vmem>>
      %dma_start3A_23 = tpu.memref_squeeze %dma_start3A_22 : memref<1x40x128xi32, #tpu.memory_space<vmem>> -> memref<40x128xi32, #tpu.memory_space<vmem>>
      %dma_start3A_24 = arith.constant 0 : i32
      %dma_start3A_25 = tpu.memref_slice %arg2[%mul3A_4, %dma_start3A_24] : memref<2560x128xi32, #tpu.memory_space<hbm>> -> memref<40x128xi32, #tpu.memory_space<hbm>>
      tpu.enqueue_dma source(%dma_start3A_25 : memref<40x128xi32, #tpu.memory_space<hbm>>) target(%dma_start3A_23 : memref<40x128xi32, #tpu.memory_space<vmem>>) target_semaphore(%run_scoped3A_14 : memref<!tpu.dma_semaphore, #tpu.memory_space<semaphore_mem>>)
      %dma_wait3A = arith.constant 0 : i32
      %dma_wait3A_26 = arith.constant 0 : i32
      %dma_wait3A_27 = tpu.memref_slice %arg6[%run_scoped3A, %dma_wait3A, %dma_wait3A_26] : memref<2x40x128xi32, #tpu.memory_space<vmem>> -> memref<1x40x128xi32, #tpu.memory_space<vmem>>
      %dma_wait3A_28 = tpu.memref_squeeze %dma_wait3A_27 : memref<1x40x128xi32, #tpu.memory_space<vmem>> -> memref<40x128xi32, #tpu.memory_space<vmem>>
      %dma_wait3A_29 = arith.constant 0 : i32
      %dma_wait3A_30 = tpu.memref_slice %arg2[%mul3A_4, %dma_wait3A_29] : memref<2560x128xi32, #tpu.memory_space<hbm>> -> memref<40x128xi32, #tpu.memory_space<hbm>>
      %dma_wait3A_31 = arith.constant 0 : i32
      %dma_wait3A_32 = arith.constant 0 : i32
      %dma_wait3A_33 = tpu.memref_slice %arg6[%run_scoped3A, %dma_wait3A_31, %dma_wait3A_32] : memref<2x40x128xi32, #tpu.memory_space<vmem>> -> memref<1x40x128xi32, #tpu.memory_space<vmem>>
      %dma_wait3A_34 = tpu.memref_squeeze %dma_wait3A_33 : memref<1x40x128xi32, #tpu.memory_space<vmem>> -> memref<40x128xi32, #tpu.memory_space<vmem>>
      %dma_wait3A_35 = arith.constant 0 : i32
      %dma_wait3A_36 = tpu.memref_slice %arg2[%mul3A_4, %dma_wait3A_35] : memref<2560x128xi32, #tpu.memory_space<hbm>> -> memref<40x128xi32, #tpu.memory_space<hbm>>
      tpu.wait_dma2 semaphore(%run_scoped3A_14 : memref<!tpu.dma_semaphore, #tpu.memory_space<semaphore_mem>>) src(%dma_wait3A_36 : memref<40x128xi32, #tpu.memory_space<hbm>>) dst(%dma_wait3A_34 : memref<40x128xi32, #tpu.memory_space<vmem>>)
      tpu.yield
    }) : () -> ()
    %scan3A = arith.constant 0 : i32
    %scan3A_5 = arith.constant 0 : i32
    %scan3A_6 = arith.constant 2 : i32
    %scan3A_7 = arith.addi %scan3A_5, %scan3A_6 : i32
    %scan3A_8 = arith.constant 1 : i32
    scf.for %scan3A_14 = %scan3A_5 to %scan3A_7 step %scan3A_8  : i32 {
      %rem3A = arith.constant 2 : i32
      %rem3A_15 = arith.remsi %scan3A_14, %rem3A : i32
      %scan3A_16 = arith.constant 0 : i32
      %scan3A_17 = arith.constant 0 : i32
      %scan3A_18 = arith.constant 40 : i32
      %scan3A_19 = arith.addi %scan3A_17, %scan3A_18 : i32
      %scan3A_20 = arith.constant 1 : i32
      scf.for %scan3A_32 = %scan3A_17 to %scan3A_19 step %scan3A_20  : i32 {
        %dma_start3A = arith.constant 0 : i32
        %dma_start3A_33 = tpu.memref_slice %arg6[%rem3A_15, %scan3A_32, %dma_start3A] : memref<2x40x128xi32, #tpu.memory_space<vmem>> -> memref<1x1x128xi32, #tpu.memory_space<vmem>>
        %dma_start3A_34 = tpu.memref_squeeze %dma_start3A_33 : memref<1x1x128xi32, #tpu.memory_space<vmem>> -> memref<128xi32, #tpu.memory_space<vmem>>
        %dma_start3A_35 = arith.constant 0 : i32
        %dma_start3A_36 = arith.constant 0 : i32
        %dma_start3A_37 = tpu.memref_slice %arg8[%dma_start3A_35, %dma_start3A_36] : memref<10112x128xf32, #tpu.memory_space<vmem_shared>> -> memref<10112x128xf32, #tpu.memory_space<vmem_shared>>
        tpu.enqueue_indirect_dma source(%arg7 : memref<128x128xf32, #tpu.memory_space<vmem>>) target(%dma_start3A_37 : memref<10112x128xf32, #tpu.memory_space<vmem_shared>>) offsets(%dma_start3A_34 : memref<128xi32, #tpu.memory_space<vmem>>) semaphore(%arg9 : memref<!tpu.dma_semaphore, #tpu.memory_space<semaphore_mem>>) {add = true}
      }
      %scan3A_21 = arith.constant 40 : i32
      %add3A_22 = arith.constant 1 : i32
      %add3A_23 = arith.addi %scan3A_14, %add3A_22 : i32
      %lt3A = arith.constant 2 : i32
      %lt3A_24 = arith.cmpi slt, %add3A_23, %lt3A : i32
      %convert_element_type3A = arith.extui %lt3A_24 : i1 to i32
      %cond3A = arith.constant 0 : i32
      %cond3A_25 = arith.cmpi ne, %convert_element_type3A, %cond3A : i32
      scf.if %cond3A_25 {
        %mul3A_32 = arith.constant 80 : i32
        %mul3A_33 = arith.muli %add3A, %mul3A_32 : i32
        %add3A_34 = arith.constant 1 : i32
        %add3A_35 = arith.addi %scan3A_14, %add3A_34 : i32
        %mul3A_36 = arith.constant 40 : i32
        %mul3A_37 = arith.muli %add3A_35, %mul3A_36 : i32
        %add3A_38 = arith.addi %mul3A_33, %mul3A_37 : i32
        %sub3A = arith.constant 1 : i32
        %sub3A_39 = arith.subi %sub3A, %rem3A_15 : i32
        "tpu.region"() ({
          %run_scoped3A_40 = tpu.sem_alloc : memref<!tpu.dma_semaphore, #tpu.memory_space<semaphore_mem>>
          %dma_start3A = arith.constant 0 : i32
          %dma_start3A_41 = arith.constant 0 : i32
          %dma_start3A_42 = tpu.memref_slice %arg6[%sub3A_39, %dma_start3A, %dma_start3A_41] : memref<2x40x128xi32, #tpu.memory_space<vmem>> -> memref<1x40x128xi32, #tpu.memory_space<vmem>>
          %dma_start3A_43 = tpu.memref_squeeze %dma_start3A_42 : memref<1x40x128xi32, #tpu.memory_space<vmem>> -> memref<40x128xi32, #tpu.memory_space<vmem>>
          %dma_start3A_44 = arith.constant 0 : i32
          %dma_start3A_45 = tpu.memref_slice %arg2[%add3A_38, %dma_start3A_44] : memref<2560x128xi32, #tpu.memory_space<hbm>> -> memref<40x128xi32, #tpu.memory_space<hbm>>
          %dma_start3A_46 = arith.constant 0 : i32
          %dma_start3A_47 = arith.constant 0 : i32
          %dma_start3A_48 = tpu.memref_slice %arg6[%sub3A_39, %dma_start3A_46, %dma_start3A_47] : memref<2x40x128xi32, #tpu.memory_space<vmem>> -> memref<1x40x128xi32, #tpu.memory_space<vmem>>
          %dma_start3A_49 = tpu.memref_squeeze %dma_start3A_48 : memref<1x40x128xi32, #tpu.memory_space<vmem>> -> memref<40x128xi32, #tpu.memory_space<vmem>>
          %dma_start3A_50 = arith.constant 0 : i32
          %dma_start3A_51 = tpu.memref_slice %arg2[%add3A_38, %dma_start3A_50] : memref<2560x128xi32, #tpu.memory_space<hbm>> -> memref<40x128xi32, #tpu.memory_space<hbm>>
          tpu.enqueue_dma source(%dma_start3A_51 : memref<40x128xi32, #tpu.memory_space<hbm>>) target(%dma_start3A_49 : memref<40x128xi32, #tpu.memory_space<vmem>>) target_semaphore(%run_scoped3A_40 : memref<!tpu.dma_semaphore, #tpu.memory_space<semaphore_mem>>)
          %dma_wait3A = arith.constant 0 : i32
          %dma_wait3A_52 = arith.constant 0 : i32
          %dma_wait3A_53 = tpu.memref_slice %arg6[%sub3A_39, %dma_wait3A, %dma_wait3A_52] : memref<2x40x128xi32, #tpu.memory_space<vmem>> -> memref<1x40x128xi32, #tpu.memory_space<vmem>>
          %dma_wait3A_54 = tpu.memref_squeeze %dma_wait3A_53 : memref<1x40x128xi32, #tpu.memory_space<vmem>> -> memref<40x128xi32, #tpu.memory_space<vmem>>
          %dma_wait3A_55 = arith.constant 0 : i32
          %dma_wait3A_56 = tpu.memref_slice %arg2[%add3A_38, %dma_wait3A_55] : memref<2560x128xi32, #tpu.memory_space<hbm>> -> memref<40x128xi32, #tpu.memory_space<hbm>>
          %dma_wait3A_57 = arith.constant 0 : i32
          %dma_wait3A_58 = arith.constant 0 : i32
          %dma_wait3A_59 = tpu.memref_slice %arg6[%sub3A_39, %dma_wait3A_57, %dma_wait3A_58] : memref<2x40x128xi32, #tpu.memory_space<vmem>> -> memref<1x40x128xi32, #tpu.memory_space<vmem>>
          %dma_wait3A_60 = tpu.memref_squeeze %dma_wait3A_59 : memref<1x40x128xi32, #tpu.memory_space<vmem>> -> memref<40x128xi32, #tpu.memory_space<vmem>>
          %dma_wait3A_61 = arith.constant 0 : i32
          %dma_wait3A_62 = tpu.memref_slice %arg2[%add3A_38, %dma_wait3A_61] : memref<2560x128xi32, #tpu.memory_space<hbm>> -> memref<40x128xi32, #tpu.memory_space<hbm>>
          tpu.wait_dma2 semaphore(%run_scoped3A_40 : memref<!tpu.dma_semaphore, #tpu.memory_space<semaphore_mem>>) src(%dma_wait3A_62 : memref<40x128xi32, #tpu.memory_space<hbm>>) dst(%dma_wait3A_60 : memref<40x128xi32, #tpu.memory_space<vmem>>)
          tpu.yield
        }) : () -> ()
      } else {
      }
      %scan3A_26 = arith.constant 0 : i32
      %scan3A_27 = arith.constant 0 : i32
      %scan3A_28 = arith.constant 40 : i32
      %scan3A_29 = arith.addi %scan3A_27, %scan3A_28 : i32
      %scan3A_30 = arith.constant 1 : i32
      scf.for %scan3A_32 = %scan3A_27 to %scan3A_29 step %scan3A_30  : i32 {
        %dma_wait3A = arith.constant 0 : i32
        %dma_wait3A_33 = arith.constant 0 : i32
        %dma_wait3A_34 = tpu.memref_slice %arg6[%rem3A_15, %dma_wait3A, %dma_wait3A_33] : memref<2x40x128xi32, #tpu.memory_space<vmem>> -> memref<1x1x128xi32, #tpu.memory_space<vmem>>
        %dma_wait3A_35 = tpu.memref_squeeze %dma_wait3A_34 : memref<1x1x128xi32, #tpu.memory_space<vmem>> -> memref<128xi32, #tpu.memory_space<vmem>>
        %dma_wait3A_36 = arith.constant 0 : i32
        %dma_wait3A_37 = arith.constant 0 : i32
        %dma_wait3A_38 = tpu.memref_slice %arg8[%dma_wait3A_36, %dma_wait3A_37] : memref<10112x128xf32, #tpu.memory_space<vmem_shared>> -> memref<10112x128xf32, #tpu.memory_space<vmem_shared>>
        tpu.wait_indirect_dma semaphore(%arg9 : memref<!tpu.dma_semaphore, #tpu.memory_space<semaphore_mem>>) src(%arg7 : memref<128x128xf32, #tpu.memory_space<vmem>>) dst(%dma_wait3A_38 : memref<10112x128xf32, #tpu.memory_space<vmem_shared>>)
      }
      %scan3A_31 = arith.constant 40 : i32
    }
    %scan3A_9 = arith.constant 2 : i32
    %barrier3A_10 = arith.constant 0 : index
    tpu.barrier barrier_id(%barrier3A_10)
    %mul3A_11 = arith.constant 10112 : i32
    %mul3A_12 = arith.muli %arg0, %mul3A_11 : i32
    %add3A_13 = arith.addi %mul3A_12, %mul3A_2 : i32
    "tpu.region"() ({
      %run_scoped3A_14 = tpu.sem_alloc : memref<!tpu.dma_semaphore, #tpu.memory_space<semaphore_mem>>
      %dma_start3A = arith.constant 0 : i32
      %dma_start3A_15 = tpu.memref_slice %arg5[%add3A_13, %dma_start3A] : memref<20224x128xf32, #tpu.memory_space<hbm>> -> memref<632x128xf32, #tpu.memory_space<hbm>>
      %dma_start3A_16 = arith.constant 0 : i32
      %dma_start3A_17 = tpu.memref_slice %arg8[%mul3A_2, %dma_start3A_16] : memref<10112x128xf32, #tpu.memory_space<vmem_shared>> -> memref<632x128xf32, #tpu.memory_space<vmem_shared>>
      tpu.enqueue_dma source(%dma_start3A_17 : memref<632x128xf32, #tpu.memory_space<vmem_shared>>) target(%dma_start3A_15 : memref<632x128xf32, #tpu.memory_space<hbm>>) target_semaphore(%run_scoped3A_14 : memref<!tpu.dma_semaphore, #tpu.memory_space<semaphore_mem>>)
      %dma_wait3A = arith.constant 0 : i32
      %dma_wait3A_18 = tpu.memref_slice %arg5[%add3A_13, %dma_wait3A] : memref<20224x128xf32, #tpu.memory_space<hbm>> -> memref<632x128xf32, #tpu.memory_space<hbm>>
      %dma_wait3A_19 = arith.constant 0 : i32
      %dma_wait3A_20 = tpu.memref_slice %arg8[%mul3A_2, %dma_wait3A_19] : memref<10112x128xf32, #tpu.memory_space<vmem_shared>> -> memref<632x128xf32, #tpu.memory_space<vmem_shared>>
      tpu.wait_dma2 semaphore(%run_scoped3A_14 : memref<!tpu.dma_semaphore, #tpu.memory_space<semaphore_mem>>) src(%dma_wait3A_20 : memref<632x128xf32, #tpu.memory_space<vmem_shared>>) dst(%dma_wait3A_18 : memref<632x128xf32, #tpu.memory_space<hbm>>)
      tpu.yield
    }) : () -> ()
    return
  }
}

module attributes {stable_mosaic.version = 14 : i64} {
  func.func @body(%arg0: i32, %arg1: memref<632x128xf32, #tpu.memory_space<vmem>>, %arg2: memref<632x128xf32, #tpu.memory_space<vmem>>, %arg3: memref<632x128xf32, #tpu.memory_space<vmem>>, %arg4: memref<632x128xf32, #tpu.memory_space<vmem>>, %arg5: memref<632x128xf32, #tpu.memory_space<vmem>>, %arg6: memref<128x128xf32, #tpu.memory_space<vmem>>, %arg7: memref<1x128xf32, #tpu.memory_space<vmem>>, %arg8: memref<128x128xf32, #tpu.memory_space<vmem>>, %arg9: memref<632x128xf32, #tpu.memory_space<vmem>>) attributes {dimension_semantics = [#tpu.dimension_semantics<arbitrary>], iteration_bounds = array<i64: 16>, scalar_prefetch = 0 : i64, scratch_operands = 0 : i64, tpu.core_type = #tpu.core_type<tc>, window_params = [{transform_indices = @transform_0, window_bounds = array<i64: 632, 128>}, {transform_indices = @transform_1, window_bounds = array<i64: 632, 128>}, {transform_indices = @transform_2, window_bounds = array<i64: 632, 128>}, {transform_indices = @transform_3, window_bounds = array<i64: 632, 128>}, {transform_indices = @transform_4, window_bounds = array<i64: 632, 128>}, {pipeline_mode = #tpu.pipeline_mode<synchronous>, transform_indices = @transform_5, window_bounds = array<i64: 128, 128>}, {pipeline_mode = #tpu.pipeline_mode<synchronous>, transform_indices = @transform_6, window_bounds = array<i64: 1, 128>}, {pipeline_mode = #tpu.pipeline_mode<synchronous>, transform_indices = @transform_7, window_bounds = array<i64: 128, 128>}, {transform_indices = @transform_8, window_bounds = array<i64: 632, 128>}]} {
    %get3A = arith.constant 0 : index
    %get3A_0 = arith.constant 0 : index
    %get3A_1 = vector.load %arg1[%get3A, %get3A_0] : memref<632x128xf32, #tpu.memory_space<vmem>>, vector<632x128xf32>
    %get3A_2 = arith.constant 0 : index
    %get3A_3 = arith.constant 0 : index
    %get3A_4 = vector.load %arg2[%get3A_2, %get3A_3] : memref<632x128xf32, #tpu.memory_space<vmem>>, vector<632x128xf32>
    %add3A = arith.addf %get3A_1, %get3A_4 : vector<632x128xf32>
    %get3A_5 = arith.constant 0 : index
    %get3A_6 = arith.constant 0 : index
    %get3A_7 = vector.load %arg3[%get3A_5, %get3A_6] : memref<632x128xf32, #tpu.memory_space<vmem>>, vector<632x1xf32>
    %get3A_8 = arith.constant 0 : index
    %get3A_9 = arith.constant 0 : index
    %get3A_10 = vector.load %arg4[%get3A_8, %get3A_9] : memref<632x128xf32, #tpu.memory_space<vmem>>, vector<632x1xf32>
    %add3A_11 = arith.addf %get3A_7, %get3A_10 : vector<632x1xf32>
    %max3A = arith.constant 1.000000e+00 : f32
    %max3A_12 = vector.broadcast %max3A : f32 to vector<632x1xf32>
    %max3A_13 = arith.maximumf %add3A_11, %max3A_12 : vector<632x1xf32>
    %div3A = vector.broadcast %max3A_13 : vector<632x1xf32> to vector<632x128xf32>
    %div3A_14 = arith.divf %add3A, %div3A : vector<632x128xf32>
    %get3A_15 = arith.constant 0 : index
    %get3A_16 = arith.constant 0 : index
    %get3A_17 = vector.load %arg6[%get3A_15, %get3A_16] : memref<128x128xf32, #tpu.memory_space<vmem>>, vector<128x128xf32>
    %dot_general3A = arith.constant dense<0.000000e+00> : vector<632x128xf32>
    %dot_general3A_18 = tpu.matmul %div3A_14, %get3A_17, %dot_general3A {dimension_numbers = #tpu.dot_dimension_numbers<[1], [0], [0], [1], [0, 0, 1, 1], [], []>, transpose_lhs_hint = false} : vector<632x128xf32>, vector<128x128xf32>, vector<632x128xf32> -> vector<632x128xf32>
    %get3A_19 = arith.constant 0 : index
    %get3A_20 = arith.constant 0 : index
    %get3A_21 = vector.load %arg7[%get3A_19, %get3A_20] : memref<1x128xf32, #tpu.memory_space<vmem>>, vector<1x128xf32>
    %add3A_22 = vector.broadcast %get3A_21 : vector<1x128xf32> to vector<632x128xf32>
    %add3A_23 = arith.addf %dot_general3A_18, %add3A_22 : vector<632x128xf32>
    %get3A_24 = arith.constant 0 : index
    %get3A_25 = arith.constant 0 : index
    %get3A_26 = vector.load %arg5[%get3A_24, %get3A_25] : memref<632x128xf32, #tpu.memory_space<vmem>>, vector<632x128xf32>
    %get3A_27 = arith.constant 0 : index
    %get3A_28 = arith.constant 0 : index
    %get3A_29 = vector.load %arg8[%get3A_27, %get3A_28] : memref<128x128xf32, #tpu.memory_space<vmem>>, vector<128x128xf32>
    %dot_general3A_30 = arith.constant dense<0.000000e+00> : vector<632x128xf32>
    %dot_general3A_31 = tpu.matmul %get3A_26, %get3A_29, %dot_general3A_30 {dimension_numbers = #tpu.dot_dimension_numbers<[1], [0], [0], [1], [0, 0, 1, 1], [], []>, transpose_lhs_hint = false} : vector<632x128xf32>, vector<128x128xf32>, vector<632x128xf32> -> vector<632x128xf32>
    %add3A_32 = arith.addf %add3A_23, %dot_general3A_31 : vector<632x128xf32>
    %max3A_33 = arith.constant 0.000000e+00 : f32
    %max3A_34 = vector.broadcast %max3A_33 : f32 to vector<632x128xf32>
    %max3A_35 = arith.maximumf %add3A_32, %max3A_34 : vector<632x128xf32>
    %swap3A = arith.constant 0 : index
    %swap3A_36 = arith.constant 0 : index
    %swap3A_37 = vector.load %arg9[%swap3A, %swap3A_36] : memref<632x128xf32, #tpu.memory_space<vmem>>, vector<632x128xf32>
    tpu.vector_store %arg9[%swap3A, %swap3A_36], %max3A_35 {strides = array<i32>} : memref<632x128xf32, #tpu.memory_space<vmem>>, vector<632x128xf32>,
    return
  }
  func.func @transform_0(%arg0: i32) -> (i32, i32) {
    %c0_i32 = arith.constant 0 : i32
    %c0_i32_0 = arith.constant 0 : i32
    return %arg0, %c0_i32 : i32, i32
  }
  func.func @transform_1(%arg0: i32) -> (i32, i32) {
    %add3A = arith.constant 16 : i32
    %add3A_0 = arith.addi %arg0, %add3A : i32
    %c0_i32 = arith.constant 0 : i32
    %c0_i32_1 = arith.constant 0 : i32
    return %add3A_0, %c0_i32 : i32, i32
  }
  func.func @transform_2(%arg0: i32) -> (i32, i32) {
    %c0_i32 = arith.constant 0 : i32
    %c0_i32_0 = arith.constant 0 : i32
    return %arg0, %c0_i32 : i32, i32
  }
  func.func @transform_3(%arg0: i32) -> (i32, i32) {
    %add3A = arith.constant 16 : i32
    %add3A_0 = arith.addi %arg0, %add3A : i32
    %c0_i32 = arith.constant 0 : i32
    %c0_i32_1 = arith.constant 0 : i32
    return %add3A_0, %c0_i32 : i32, i32
  }
  func.func @transform_4(%arg0: i32) -> (i32, i32) {
    %c0_i32 = arith.constant 0 : i32
    %c0_i32_0 = arith.constant 0 : i32
    return %arg0, %c0_i32 : i32, i32
  }
  func.func @transform_5(%arg0: i32) -> (i32, i32) {
    %c0_i32 = arith.constant 0 : i32
    %c0_i32_0 = arith.constant 0 : i32
    %c0_i32_1 = arith.constant 0 : i32
    return %c0_i32, %c0_i32_0 : i32, i32
  }
  func.func @transform_6(%arg0: i32) -> (i32, i32) {
    %c0_i32 = arith.constant 0 : i32
    %c0_i32_0 = arith.constant 0 : i32
    %c0_i32_1 = arith.constant 0 : i32
    return %c0_i32, %c0_i32_0 : i32, i32
  }
  func.func @transform_7(%arg0: i32) -> (i32, i32) {
    %c0_i32 = arith.constant 0 : i32
    %c0_i32_0 = arith.constant 0 : i32
    %c0_i32_1 = arith.constant 0 : i32
    return %c0_i32, %c0_i32_0 : i32, i32
  }
  func.func @transform_8(%arg0: i32) -> (i32, i32) {
    %c0_i32 = arith.constant 0 : i32
    %c0_i32_0 = arith.constant 0 : i32
    return %arg0, %c0_i32 : i32, i32
  }
}

module attributes {stable_mosaic.version = 14 : i64} {
  func.func @body(%arg0: i32, %arg1: memref<632x128xf32, #tpu.memory_space<vmem>>, %arg2: memref<632x128xf32, #tpu.memory_space<vmem>>, %arg3: memref<632x128xf32, #tpu.memory_space<vmem>>, %arg4: memref<632x128xf32, #tpu.memory_space<vmem>>, %arg5: memref<632x128xf32, #tpu.memory_space<vmem>>, %arg6: memref<128x40xf32, #tpu.memory_space<vmem>>, %arg7: memref<1x40xf32, #tpu.memory_space<vmem>>, %arg8: memref<128x40xf32, #tpu.memory_space<vmem>>, %arg9: memref<632x40xf32, #tpu.memory_space<vmem>>) attributes {dimension_semantics = [#tpu.dimension_semantics<arbitrary>], iteration_bounds = array<i64: 16>, scalar_prefetch = 0 : i64, scratch_operands = 0 : i64, tpu.core_type = #tpu.core_type<tc>, window_params = [{transform_indices = @transform_0, window_bounds = array<i64: 632, 128>}, {transform_indices = @transform_1, window_bounds = array<i64: 632, 128>}, {transform_indices = @transform_2, window_bounds = array<i64: 632, 128>}, {transform_indices = @transform_3, window_bounds = array<i64: 632, 128>}, {transform_indices = @transform_4, window_bounds = array<i64: 632, 128>}, {pipeline_mode = #tpu.pipeline_mode<synchronous>, transform_indices = @transform_5, window_bounds = array<i64: 128, 40>}, {pipeline_mode = #tpu.pipeline_mode<synchronous>, transform_indices = @transform_6, window_bounds = array<i64: 1, 40>}, {pipeline_mode = #tpu.pipeline_mode<synchronous>, transform_indices = @transform_7, window_bounds = array<i64: 128, 40>}, {transform_indices = @transform_8, window_bounds = array<i64: 632, 40>}]} {
    %get3A = arith.constant 0 : index
    %get3A_0 = arith.constant 0 : index
    %get3A_1 = vector.load %arg1[%get3A, %get3A_0] : memref<632x128xf32, #tpu.memory_space<vmem>>, vector<632x128xf32>
    %get3A_2 = arith.constant 0 : index
    %get3A_3 = arith.constant 0 : index
    %get3A_4 = vector.load %arg2[%get3A_2, %get3A_3] : memref<632x128xf32, #tpu.memory_space<vmem>>, vector<632x128xf32>
    %add3A = arith.addf %get3A_1, %get3A_4 : vector<632x128xf32>
    %get3A_5 = arith.constant 0 : index
    %get3A_6 = arith.constant 0 : index
    %get3A_7 = vector.load %arg3[%get3A_5, %get3A_6] : memref<632x128xf32, #tpu.memory_space<vmem>>, vector<632x1xf32>
    %get3A_8 = arith.constant 0 : index
    %get3A_9 = arith.constant 0 : index
    %get3A_10 = vector.load %arg4[%get3A_8, %get3A_9] : memref<632x128xf32, #tpu.memory_space<vmem>>, vector<632x1xf32>
    %add3A_11 = arith.addf %get3A_7, %get3A_10 : vector<632x1xf32>
    %max3A = arith.constant 1.000000e+00 : f32
    %max3A_12 = vector.broadcast %max3A : f32 to vector<632x1xf32>
    %max3A_13 = arith.maximumf %add3A_11, %max3A_12 : vector<632x1xf32>
    %div3A = vector.broadcast %max3A_13 : vector<632x1xf32> to vector<632x128xf32>
    %div3A_14 = arith.divf %add3A, %div3A : vector<632x128xf32>
    %get3A_15 = arith.constant 0 : index
    %get3A_16 = arith.constant 0 : index
    %get3A_17 = vector.load %arg6[%get3A_15, %get3A_16] : memref<128x40xf32, #tpu.memory_space<vmem>>, vector<128x40xf32>
    %dot_general3A = arith.constant dense<0.000000e+00> : vector<632x40xf32>
    %dot_general3A_18 = tpu.matmul %div3A_14, %get3A_17, %dot_general3A {dimension_numbers = #tpu.dot_dimension_numbers<[1], [0], [0], [1], [0, 0, 1, 1], [], []>, transpose_lhs_hint = false} : vector<632x128xf32>, vector<128x40xf32>, vector<632x40xf32> -> vector<632x40xf32>
    %get3A_19 = arith.constant 0 : index
    %get3A_20 = arith.constant 0 : index
    %get3A_21 = vector.load %arg7[%get3A_19, %get3A_20] : memref<1x40xf32, #tpu.memory_space<vmem>>, vector<1x40xf32>
    %add3A_22 = vector.broadcast %get3A_21 : vector<1x40xf32> to vector<632x40xf32>
    %add3A_23 = arith.addf %dot_general3A_18, %add3A_22 : vector<632x40xf32>
    %get3A_24 = arith.constant 0 : index
    %get3A_25 = arith.constant 0 : index
    %get3A_26 = vector.load %arg5[%get3A_24, %get3A_25] : memref<632x128xf32, #tpu.memory_space<vmem>>, vector<632x128xf32>
    %get3A_27 = arith.constant 0 : index
    %get3A_28 = arith.constant 0 : index
    %get3A_29 = vector.load %arg8[%get3A_27, %get3A_28] : memref<128x40xf32, #tpu.memory_space<vmem>>, vector<128x40xf32>
    %dot_general3A_30 = arith.constant dense<0.000000e+00> : vector<632x40xf32>
    %dot_general3A_31 = tpu.matmul %get3A_26, %get3A_29, %dot_general3A_30 {dimension_numbers = #tpu.dot_dimension_numbers<[1], [0], [0], [1], [0, 0, 1, 1], [], []>, transpose_lhs_hint = false} : vector<632x128xf32>, vector<128x40xf32>, vector<632x40xf32> -> vector<632x40xf32>
    %add3A_32 = arith.addf %add3A_23, %dot_general3A_31 : vector<632x40xf32>
    %reduce_max3A = arith.constant dense<0xFF800000> : vector<632xf32>
    %reduce_max3A_33 = vector.multi_reduction <maximumf>, %add3A_32, %reduce_max3A [1] : vector<632x40xf32> to vector<632xf32>
    %broadcast_in_dim3A = vector.shape_cast %reduce_max3A_33 : vector<632xf32> to vector<632x1xf32>
    %sub3A = vector.broadcast %broadcast_in_dim3A : vector<632x1xf32> to vector<632x40xf32>
    %sub3A_34 = arith.subf %add3A_32, %sub3A : vector<632x40xf32>
    %exp3A = math.exp %sub3A_34 : vector<632x40xf32>
    %reduce_sum3A = arith.constant dense<0.000000e+00> : vector<632xf32>
    %reduce_sum3A_35 = vector.multi_reduction <add>, %exp3A, %reduce_sum3A [1] : vector<632x40xf32> to vector<632xf32>
    %broadcast_in_dim3A_36 = vector.shape_cast %reduce_sum3A_35 : vector<632xf32> to vector<632x1xf32>
    %log3A = math.log %broadcast_in_dim3A_36 : vector<632x1xf32>
    %sub3A_37 = vector.broadcast %broadcast_in_dim3A : vector<632x1xf32> to vector<632x40xf32>
    %sub3A_38 = arith.subf %add3A_32, %sub3A_37 : vector<632x40xf32>
    %sub3A_39 = vector.broadcast %log3A : vector<632x1xf32> to vector<632x40xf32>
    %sub3A_40 = arith.subf %sub3A_38, %sub3A_39 : vector<632x40xf32>
    %swap3A = arith.constant 0 : index
    %swap3A_41 = arith.constant 0 : index
    %swap3A_42 = vector.load %arg9[%swap3A, %swap3A_41] : memref<632x40xf32, #tpu.memory_space<vmem>>, vector<632x40xf32>
    tpu.vector_store %arg9[%swap3A, %swap3A_41], %sub3A_40 {strides = array<i32>} : memref<632x40xf32, #tpu.memory_space<vmem>>, vector<632x40xf32>,
    return
  }
  func.func @transform_0(%arg0: i32) -> (i32, i32) {
    %c0_i32 = arith.constant 0 : i32
    %c0_i32_0 = arith.constant 0 : i32
    return %arg0, %c0_i32 : i32, i32
  }
  func.func @transform_1(%arg0: i32) -> (i32, i32) {
    %add3A = arith.constant 16 : i32
    %add3A_0 = arith.addi %arg0, %add3A : i32
    %c0_i32 = arith.constant 0 : i32
    %c0_i32_1 = arith.constant 0 : i32
    return %add3A_0, %c0_i32 : i32, i32
  }
  func.func @transform_2(%arg0: i32) -> (i32, i32) {
    %c0_i32 = arith.constant 0 : i32
    %c0_i32_0 = arith.constant 0 : i32
    return %arg0, %c0_i32 : i32, i32
  }
  func.func @transform_3(%arg0: i32) -> (i32, i32) {
    %add3A = arith.constant 16 : i32
    %add3A_0 = arith.addi %arg0, %add3A : i32
    %c0_i32 = arith.constant 0 : i32
    %c0_i32_1 = arith.constant 0 : i32
    return %add3A_0, %c0_i32 : i32, i32
  }
  func.func @transform_4(%arg0: i32) -> (i32, i32) {
    %c0_i32 = arith.constant 0 : i32
    %c0_i32_0 = arith.constant 0 : i32
    return %arg0, %c0_i32 : i32, i32
  }
  func.func @transform_5(%arg0: i32) -> (i32, i32) {
    %c0_i32 = arith.constant 0 : i32
    %c0_i32_0 = arith.constant 0 : i32
    %c0_i32_1 = arith.constant 0 : i32
    return %c0_i32, %c0_i32_0 : i32, i32
  }
  func.func @transform_6(%arg0: i32) -> (i32, i32) {
    %c0_i32 = arith.constant 0 : i32
    %c0_i32_0 = arith.constant 0 : i32
    %c0_i32_1 = arith.constant 0 : i32
    return %c0_i32, %c0_i32_0 : i32, i32
  }
  func.func @transform_7(%arg0: i32) -> (i32, i32) {
    %c0_i32 = arith.constant 0 : i32
    %c0_i32_0 = arith.constant 0 : i32
    %c0_i32_1 = arith.constant 0 : i32
    return %c0_i32, %c0_i32_0 : i32, i32
  }
  func.func @transform_8(%arg0: i32) -> (i32, i32) {
    %c0_i32 = arith.constant 0 : i32
    %c0_i32_0 = arith.constant 0 : i32
    return %arg0, %c0_i32 : i32, i32
  }
}

</mosaic_0001>

<sc_bundles>
// kernel: kernel.10.cloned.1.call-start
scs
__scs_entry_jumppad:
0x0: {  	(pc) =	sbr.rel $0x88, $3  }
0x1: {  	(tag) =	ssettag $0x0;
	lr =	simm.s32 $0x1  }
0x2: {  	[smem:$0x3F99] =	sst lr;
	_ =	strace $0xD0000000  }
0x3: {  	_ = 	snop  }
0x4: {  	_ = 	snop  }
0x5: {  	_ = 	snop  }
0x6: {  	_ = 	snop  }
0x7: {  	_ = 	snop  }
__scs_overlays_trampoline_lowered:
0x8: {  	[smem:$0x3FA8] =	sst s0  }
0x9: {  	[smem:$0x3FA9] =	sst s1  }
0xa: {  	[smem:$0x3FAA] =	sst s2  }
0xb: {  	[smem:$0x3FAB] =	sst s3  }
0xc: {  	[smem:$0x3FAC] =	sst s4  }
0xd: {  	[smem:$0x3FAD] =	sst s5  }
0xe: {  	[smem:$0x3FAE] =	sst s6  }
0xf: {  	[smem:$0x3FAF] =	sst s7  }
0x10: {  	[smem:$0x3FB0] =	sst s8  }
0x11: {  	[smem:$0x3FB1] =	sst s9;
	s0 =	simm.s32 @!p0 $0x0  }
0x12: {  	s1 =	sld [smem:$0x3F97];
	s0 =	simm.s32 @p0 $0x1  }
0x13: {  	[smem:$0x3FB2] =	sst s0;
	s0 =	simm.s32 @!p1 $0x0  }
0x14: {  	s2 =	sld [smem:$0x3F96];
	s0 =	simm.s32 @p1 $0x1  }
0x15: {  	[smem:$0x3FB3] =	sst s0;
	s0 =	simm.s32 @!p2 $0x0  }
0x16: {  	s3 =	sld [smem:$0x3FDB];
	s0 =	simm.s32 @p2 $0x1  }
0x17: {  	s4 =	simm.s32 $0x1BF5;
	[smem:$0x3FB5] =	sst s0  }
0x18: {  	s0 =	sld [smem:$0x3F98];
	_ =	swait.ge [sflag:s4], $0x0  }
0x19: {  	s7 =	sld [smem:$0x3F99]  }
0x1a: {  	s8 =	sadd.s32 $0xFFFFE003, lr  }
0x1b: {  	s9 =	sadd.s32 $0xFFFFFEF7, lr;
	s5 =	simm.s32 $0xFFFFFFFF;
	p2 =	slt.u32 s8, $0xFFFFF086  }
0x1c: {  	p1 =	slt.u32 s9, $0xF7A;
	s5 =	simm.s32 @!p2 $0x0  }
0x1d: {  	s5 =	simm.s32 @p1 $0x1;
	p0 =	seq.s32 s7, s2  }
0x1e: {  	s7 =	smul.u32 @!p0 $0xF7A, s2;
	p2 =	seq.s32 @!p0 s5, $0x0  }
0x1f: {  	s9 =	smul.u32 $0xF7A, s1;
	s8 =	simm.s32 @!p0 $0x1BF5;
	p2 =	por !p2, p0  }
0x20: {  	[sflag:s8] =	ssyncset.s32 @!p0 $0xFFFFF086;
	s6 =	sadd.s32 @!p0 s3, s7;
	s7 =	simm.s32 @!p0 $0x108  }
0x21: {  	s3 =	sadd.s32 s3, s9;
	s6 =	sadd.s32 @!p0 $0x88, s6;
	s7 =	simm.s32 @p2 $0x1082  }
0x22: {  	[simem:s7], [sflag:s8] =	dma.local @!p0 [hbm:s6], $0xF7A  }
0x23: {  	s9 =	sor.u32 $0xD0000000, s2;
	s6 =	simm.s32 $0x108;
	_ =	swait.ge @!p0 [sflag:s8], $0x0  }
0x24: {  	s3 =	sadd.s32 $0x88, s3;
	s6 =	simm.s32 @!p1 $0x1082;
	[sflag:s4] =	ssyncset.s32 $0xFFFFF086  }
0x25: {  	[simem:s6], [sflag:s4] =	dma.local [hbm:s3], $0xF7A  }
0x26: {  	[smem:$0x3F99] =	sst s1;
	(tag) =	ssettag s2;
	_ =	strace s9  }
0x27: {  	s1 =	sld [smem:$0x3FA9]  }
0x28: {  	s2 =	sld [smem:$0x3FAA]  }
0x29: {  	s4 =	sld [smem:$0x3FAC]  }
0x2a: {  	p0 =	seq.s32 s5, $0x0;
	s5 =	sld [smem:$0x3FAD]  }
0x2b: {  	s6 =	sld [smem:$0x3FAE]  }
0x2c: {  	s7 =	sld [smem:$0x3FAF]  }
0x2d: {  	s3 =	simm.s32 $0x108;
	s8 =	sld [smem:$0x3FB0]  }
0x2e: {  	s3 =	simm.s32 @!p0 $0x1082;
	s9 =	sld [smem:$0x3FB1]  }
0x2f: {  	lr =	sadd.s32 s0, s3;
	s0 =	sld [smem:$0x3FA8]  }
0x30: {  	s3 =	sld [smem:$0x3FAB]  }
0x31: {  	[smem:$0x3FB4] =	sst s10  }
0x32: {  	s10 =	sld [smem:$0x3FB2];
	_ =	sdelay $0x3  }
0x33: {  	p0 =	seq.s32 s10, $0x1;
	s10 =	sld [smem:$0x3FB4];
	_ =	sdelay $0x3  }
0x34: {  	[smem:$0x3FB4] =	sst s10  }
0x35: {  	s10 =	sld [smem:$0x3FB3];
	_ =	sdelay $0x3  }
0x36: {  	p1 =	seq.s32 s10, $0x1;
	s10 =	sld [smem:$0x3FB4];
	_ =	sdelay $0x3  }
0x37: {  	[smem:$0x3FB4] =	sst s10  }
0x38: {  	s10 =	sld [smem:$0x3FB5]  }
0x39: {  	_ = 	snop;
	(pc) =	sbr.ind lr, $3  }
0x3a: {  	_ = 	snop  }
0x3b: {  	_ = 	snop  }
0x3c: {  	p2 =	seq.s32 s10, $0x1;
	s10 =	sld [smem:$0x3FB4]  }
0x3d: {  	_ =	shalt  }
0x3e: {  	_ =	shalt  }
0x3f: {  	_ =	shalt  }
0x40: {  	_ =	shalt  }
0x41: {  	_ =	shalt  }
0x42: {  	_ =	shalt  }
0x43: {  	_ =	shalt  }
0x44: {  	_ =	shalt  }
0x45: {  	_ =	shalt  }
0x46: {  	_ =	shalt  }
0x47: {  	_ =	shalt  }
0x48: {  	_ =	shalt  }
0x49: {  	_ =	shalt  }
0x4a: {  	_ =	shalt  }
0x4b: {  	_ =	shalt  }
0x4c: {  	_ =	shalt  }
0x4d: {  	_ =	shalt  }
0x4e: {  	_ =	shalt  }
0x4f: {  	_ =	shalt  }
0x50: {  	_ =	shalt  }
0x51: {  	_ =	shalt  }
0x52: {  	_ =	shalt  }
0x53: {  	_ =	shalt  }
0x54: {  	_ =	shalt  }
0x55: {  	_ =	shalt  }
0x56: {  	_ =	shalt  }
0x57: {  	_ =	shalt  }
0x58: {  	_ =	shalt  }
0x59: {  	_ =	shalt  }
0x5a: {  	_ =	shalt  }
0x5b: {  	_ =	shalt  }
0x5c: {  	_ =	shalt  }
0x5d: {  	_ =	shalt  }
0x5e: {  	_ =	shalt  }
0x5f: {  	_ =	shalt  }
0x60: {  	_ =	shalt  }
0x61: {  	_ =	shalt  }
0x62: {  	_ =	shalt  }
0x63: {  	_ =	shalt  }
0x64: {  	_ =	shalt  }
0x65: {  	_ =	shalt  }
0x66: {  	_ =	shalt  }
0x67: {  	_ =	shalt  }
0x68: {  	_ =	shalt  }
0x69: {  	_ =	shalt  }
0x6a: {  	_ =	shalt  }
0x6b: {  	_ =	shalt  }
0x6c: {  	_ =	shalt  }
0x6d: {  	_ =	shalt  }
0x6e: {  	_ =	shalt  }
0x6f: {  	_ =	shalt  }
0x70: {  	_ =	shalt  }
0x71: {  	_ =	shalt  }
0x72: {  	_ =	shalt  }
0x73: {  	_ =	shalt  }
0x74: {  	_ =	shalt  }
0x75: {  	_ =	shalt  }
0x76: {  	_ =	shalt  }
0x77: {  	_ =	shalt  }
0x78: {  	_ =	shalt  }
0x79: {  	_ =	shalt  }
0x7a: {  	_ =	shalt  }
0x7b: {  	_ =	shalt  }
0x7c: {  	_ =	shalt  }
0x7d: {  	_ =	shalt  }
0x7e: {  	_ =	shalt  }
0x7f: {  	_ =	shalt  }
0x80: {  	_ =	shalt  }
0x81: {  	_ =	shalt  }
0x82: {  	_ =	shalt  }
0x83: {  	_ =	shalt  }
0x84: {  	_ =	shalt  }
0x85: {  	_ =	shalt  }
0x86: {  	_ =	shalt  }
0x87: {  	_ =	shalt  }
.Lfunc_end0:
.L_simem_size_0:
called_computation.1_lowered:
.L_overlay_start_0:
0x88: {  	s2 =	sld [smem:$0x3FD9]  }
0x89: {  	s3 =	sld [smem:$0x3FFE];
	_ =	sdelay $0x1  }
0x8a: {  	s1 =	srdreg.scid  }
0x8b: {  	s0 =	sand.u32 $0x1, s1  }
0x8c: {  	s17 =	sshll.u32 s0, $0xA;
	s2 =	sadd.s32 s3, s2  }
0x8d: {  	s2 =	sadd.s32 s2, s17  }
0x8e: {  	[smem:$0x3FC0] =	sst s2  }
0x8f: {  	_ = 	snop  }
0x90: {  	s2 =	sld [smem:$0x3FD0];
	(tm) =	ssettm $0x1  }
0x91: {  	s18 =	sld [smem:$0x3FFB];
	_ =	sdelay $0x3  }
0x92: {  	_ =	strace s18  }
0x93: {  	s3 =	sld [smem:$0x3FFC];
	_ =	sdelay $0x3  }
0x94: {  	_ =	strace s3  }
0x95: {  	s3 =	sld [smem:$0x3FFD];
	_ =	sdelay $0x3  }
0x96: {  	_ =	strace s3  }
0x97: {  	_ =	strace $0x8FFFFFFF  }
0x98: {  	s19 =	sld [smem:$0x3FDB];
	_ =	sdelay $0x1  }
0x99: {  	s4 =	simm.s32 $_scs_section_size  }
0x9a: {  	s5 =	simm.s32 $_size__tile_overlayer_lowered;
	s6 =	simm.s32 $_tile_overlayer_lowered  }
0x9b: {  	s22 =	simm.s32 $0x1BFF;
	s21 =	sshll.u32 s6, $0x1;
	s3 =	sadd.s32 s4, s19  }
0x9c: {  	s7 =	simm.s32 $0x0;
	s20 =	sshll.u32 s5, $0x1;
	s5 =	sadd.s32 s21, s3  }
0x9d: {  	[timem:s7], [sflag:s22] =	dma.local [hbm:s5], s20  }
0x9e: {  	_ =	swait.ge [sflag:s22], s20  }
0x9f: {  	s4 =	ssub.s32 $0x0, s20;
	[sflag:s22] =	ssyncset.done $0x0  }
0xa0: {  	[sflag:s22] =	ssyncadd.s32 s4;
	_ =	sdelay $0x1  }
0xa1: {  	s23 =	simm.s32 $0x1B8B  }
0xa2: {  	_ =	swait.ge [sflag:s23], $0x1  }
0xa3: {  	[sflag:s23] =	ssyncset.done $0x0  }
0xa4: {  	s25 =	simm.s32 $0x1B8E;
	s24 =	sld [smem:$0x3FFE];
	[sflag:s23] =	ssyncadd.s32 $0xFFFFFFFF  }
0xa5: {  	s26 =	simm.s32 $execute0_lowered;
	[smem:$0x3FD2] =	sst s25  }
0xa6: {  	s5 =	sshll.u32 s26, $0x1;
	_ =	strace $0x80000046;
	[dreg:$0x1] =	wrdreg $0xFFFFFFFF  }
0xa7: {  	s28 =	simm.s32 $_size_execute0_lowered;
	s3 =	sadd.s32 s3, s5;
	[dreg:$0x0] =	wrdreg $0x0  }
0xa8: {  	s5 =	sshll.u32 s28, $0x1;
	[dreg:$0x2] =	wrdreg s3  }
0xa9: {  	[dreg:$0x3] =	wrdreg s5  }
0xaa: {  	[dreg:$0x4] =	wrdreg $0xC0  }
0xab: {  	_ =	task [dreg:s7], $0x5FFFF  }
0xac: {  	[dreg:$0x1] =	wrdreg $0xFFFFFFFF  }
0xad: {  	[dreg:$0x0] =	wrdreg $0x60  }
0xae: {  	[dreg:$0x2] =	wrdreg s24  }
0xaf: {  	[dreg:$0x3] =	wrdreg s2  }
0xb0: {  	[dreg:$0x4] =	wrdreg $0xA8000  }
0xb1: {  	[dreg:$0x5] =	wrdreg $0xA  }
0xb2: {  	_ =	task.clear_ibuf [dreg:s7], $0x6FFFF;
	_ =	strace $0x90000046  }
0xb3: {  	s29 =	simm.s32 $0xA;
	_ =	strace $0x80000048  }
0xb4: {  	_ =	swait.ge [sflag:s29], $0x1  }
0xb5: {  	[sflag:s29] =	ssyncadd.s32 $0xFFFFFFFF  }
0xb6: {  	_ =	strace $0x90000048  }
0xb7: {  	_ =	sfence  }
0xb8: {  	s30 =	sld [smem:$0x0];
	_ =	sdelay $0x2  }
0xb9: {  	s31 =	sshll.u32 s1, $0xD;
	s1 =	sshrl.u32 s1, $0x2  }
0xba: {  	s3 =	sand.u32 $0x4000, s31;
	s1 =	sadd.s32 s1, s30  }
0xbb: {  	s0 =	sor.u32 s3, s0;
	s1 =	sshll.u32 s1, $0x11  }
0xbc: {  	s0 =	sor.u32 s1, s0  }
0xbd: {  	s0 =	sadd.s32 $0x8F2B, s0  }
0xbe: {  	[sflag:s0] =	ssyncadd.remote.s32 $0x1  }
0xbf: {  	_ =	sfence.sel $0xFFFF  }
0xc0: {  	[dreg:$0x0] =	wrdreg $0xFFFFFFFF;
	(pc) =	sbr.abs _section_cstart, $3  }
0xc1: {  	[dreg:$0x1] =	wrdreg $0xFFFFFFFF  }
0xc2: {  	_ =	task.clear_ibuf [dreg:s7], $0x2FFFF;
	_ =	strace $0x9FFFFFFF  }
0xc3: {  	(tm) =	ssettm $0x7FFFFFFF  }
tec
execute0_lowered:
.L_overlay_start_1:
0x0: {  	(tag) =	ssettag $0x1  }
0x1: {  	s6 =	rddreg [dreg:$0x0]  }
0x2: {  	s12 =	rddreg [dreg:$0x1]  }
0x3: {  	s2 =	rddreg [dreg:$0x2]  }
0x4: {  	s0 =	rddreg [dreg:$0x3]  }
0x5: {  	s4 =	srdreg.scid;
	s1 =	stileid.u32;
	s3 =	simm.s32 $0x0  }
0x6: {  	s16 =	simm.s32 $0x1;
	s17 =	simm.s32 $0x80;
	s18 =	simm.s32 $0x2780  }
0x7: {  	s19 =	simm.s32 $0x6800;
	s20 =	simm.s32 $0x0;
	s7 =	sand.u32 $0x1, s4  }
0x8: {  	s8 =	smul.u32 $0x2780, s1;
	[smem:$0x7FF] =	sst s3;
	s4 =	sadd.s32 $0xC400, s6  }
0x9: {  	s11 =	sadd.s32 $0x2400, s6;
	s5 =	sadd.s32 $0x33C00, s6;
	s10 =	smul.u32 $0x4F000, s1  }
0xa: {  	s13 =	sshll.u32 s1, $0x6;
	s9 =	smul.u32 $0x27800, s7;
	s29 =	ssub.s32 $0x2, s7  }
0xb: {  	_ =	strace $0x80000047;
	s7 =	sshll.u32 s7, $0x4;
	s30 =	sshrl.u32 s29, $0x1  }
0xc: {  	s7 =	sor.u32 s1, s7;
	s10 =	sshrl.u32 s10, $0x2;
	s8 =	sadd.s32 s8, s9  }
0xd: {  	s14 =	smul.u32 $0x500, s7;
	s9 =	ssub.s32 s29, s30;
	s15 =	sadd.s32 s10, s2  }
0xe: {  	s8 =	sadd.s32 s8, s6;
	s6 =	sor.u32 $0x1C02, s13;
	s13 =	sshrl.u32 s15, $0x3  }
0xf: {  	s15 =	simm.s32 $0x2800;
	s7 =	sadd.s32 $0x36400, s8;
	s8 =	smax.u32 s9, $0x1  }
0x10: {  	s31 =	sadd.s32 $0x280, s14;
	s9 =	sadd.s32 s11, s14;
	s10 =	sadd.s32 s12, s14  }
0x11: {  	s14 =	simm.s32 $0x2;
	s11 =	sadd.s32 s11, s31;
	s12 =	sadd.s32 s12, s31  }
.LBB2_1:
0x12: {  	[spmem:s13], [sflag:s6] =	dma.local [hbm:s5], $0x2780  }
0x13: {  	_ =	swait.ge [sflag:s14], $0x2780  }
0x14: {  	[sflag:s14] =	ssyncset.done $0x0  }
0x15: {  	[sflag:s14] =	ssyncadd.s32 $0xFFFFD880  }
0x16: {  	[bflag:$0x0] =	sbarrier.arrive $0xFFFF  }
0x17: {  	[tilespmem:s3], [sflag:$0x2] =	stream.linear.gather [hbm4b:s9+s3], $0x1400, $0x38;
	[tilespmem:$0x1E400] =	vst v63  }
0x18: {  	_ =	swait.ge [sflag:s14], $0x1400  }
0x19: {  	[sflag:s14] =	ssyncset.done $0x0  }
0x1a: {  	s21 =	simm.s32 $0x1400;
	[sflag:s14] =	ssyncadd.s32 $0xFFFFEC00  }
0x1b: {  	[tilespmem:s21], [sflag:$0x2] =	stream.linear.gather [hbm4b:s10+s3], $0x1400, $0x38;
	[tilespmem:$0x1E400] =	vst v63  }
0x1c: {  	_ =	swait.ge [sflag:s14], $0x1400  }
0x1d: {  	[sflag:s14] =	ssyncset.done $0x0  }
0x1e: {  	[sflag:s14] =	ssyncadd.s32 $0xFFFFEC00  }
0x1f: {  	[tilespmem:s15], [sflag:$0x1] =	stream.indirect.gather [hbm4b:s4+s17], $0x80, s3, s17, $0xb8;
	[tilespmem:$0x1E400] =	vst v63  }
0x20: {  	s22 =	simm.s32 $0x0;
	_ =	swait.ge [sflag:s16], $0x4000  }
0x21: {  	s22 =	sand.u32 $0x4000, s22;
	[sflag:s16] =	ssyncset.done $0x0  }
0x22: {  	s23 =	sxor.u32 $0x6800, s22;
	[sflag:s16] =	ssyncadd.s32 $0xFFFFC000  }
0x23: {  	[tilespmem:s23], [sflag:$0x1] =	stream.indirect.gather [hbm4b:s4+s17], $0x80, s17, s17, $0xb8;
	[tilespmem:$0x1E400] =	vst v63  }
0x24: {  	s22 =	sor.u32 $0x2800, s22  }
0x25: {  	[spmem:s2] =	stream.indirect.scatter.add.f32 [tilespmem:s22], [sflag:$0x2], $0x80, s21, s17, $0xb8;
	[tilespmem:$0x1E400] =	vst v63  }
0x26: {  	_ =	swait.ge [sflag:s14], $0x4000  }
0x27: {  	s23 =	simm.s32 $0x80;
	s22 =	simm.s32 $0x1;
	[sflag:s14] =	ssyncset.done $0x0  }
.LBB2_2:
0x28: {  	[sflag:s14] =	ssyncadd.s32 $0xFFFFC000;
	s21 =	sadd.s32 $0x80, s21;
	s23 =	sadd.s32 $0x80, s23  }
0x29: {  	p0 =	sne.s32 s22, $0x26;
	s24 =	smov.u32 s22;
	s22 =	sadd.s32 $0x1, s22  }
0x2a: {  	s24 =	sshll.u32 s24, $0xE;
	_ =	swait.ge [sflag:s16], $0x4000  }
0x2b: {  	s24 =	sand.u32 $0x4000, s24;
	[sflag:s16] =	ssyncset.done $0x0  }
0x2c: {  	s25 =	sxor.u32 $0x6800, s24;
	[sflag:s16] =	ssyncadd.s32 $0xFFFFC000  }
0x2d: {  	[tilespmem:s25], [sflag:$0x1] =	stream.indirect.gather [hbm4b:s4+s17], $0x80, s23, s17, $0xb8;
	[tilespmem:$0x1E400] =	vst v63  }
.Ltmp0:
0x2e: {  	_ = 	snop;
	(pc) =	sbr.rel @p0 .LBB2_2-.Ltmp0, $4  }
0x2f: {  	s24 =	sor.u32 $0x2800, s24  }
0x30: {  	[spmem:s2] =	stream.indirect.scatter.add.f32 [tilespmem:s24], [sflag:$0x2], $0x80, s21, s17, $0xb8;
	[tilespmem:$0x1E400] =	vst v63  }
0x31: {  	_ =	swait.ge [sflag:s14], $0x4000  }
0x32: {  	[sflag:s14] =	ssyncset.done $0x0  }
0x33: {  	[sflag:s14] =	ssyncadd.s32 $0xFFFFC000  }
0x34: {  	_ =	swait.ge [sflag:s16], $0x4000  }
0x35: {  	[sflag:s16] =	ssyncset.done $0x0  }
0x36: {  	s21 =	simm.s32 $0x80;
	[sflag:s16] =	ssyncadd.s32 $0xFFFFC000  }
0x37: {  	[spmem:s2] =	stream.indirect.scatter.add.f32 [tilespmem:s19], [sflag:$0x2], $0x80, s18, s21, $0xb8;
	[tilespmem:$0x1E400] =	vst v63  }
0x38: {  	_ =	swait.ge [sflag:s14], $0x4000  }
0x39: {  	[sflag:s14] =	ssyncset.done $0x0  }
0x3a: {  	s23 =	simm.s32 $0x0;
	[sflag:s14] =	ssyncadd.s32 $0xFFFFC000  }
0x3b: {  	[tilespmem:s23], [sflag:$0x2] =	stream.linear.gather [hbm4b:s11+s23], $0x1400, $0x38;
	[tilespmem:$0x1E400] =	vst v63  }
0x3c: {  	_ =	swait.ge [sflag:s14], $0x1400  }
0x3d: {  	[sflag:s14] =	ssyncset.done $0x0  }
0x3e: {  	s22 =	simm.s32 $0x1400;
	[sflag:s14] =	ssyncadd.s32 $0xFFFFEC00  }
0x3f: {  	[tilespmem:s22], [sflag:$0x2] =	stream.linear.gather [hbm4b:s12+s23], $0x1400, $0x38;
	[tilespmem:$0x1E400] =	vst v63  }
0x40: {  	_ =	swait.ge [sflag:s14], $0x1400  }
0x41: {  	[sflag:s14] =	ssyncset.done $0x0  }
0x42: {  	[sflag:s14] =	ssyncadd.s32 $0xFFFFEC00  }
0x43: {  	[tilespmem:s15], [sflag:$0x1] =	stream.indirect.gather [hbm4b:s4+s21], $0x80, s23, s21, $0xb8;
	[tilespmem:$0x1E400] =	vst v63  }
0x44: {  	s31 =	simm.s32 $0x0;
	_ =	swait.ge [sflag:s16], $0x4000  }
0x45: {  	s23 =	sand.u32 $0x4000, s31;
	[sflag:s16] =	ssyncset.done $0x0  }
0x46: {  	s24 =	sxor.u32 $0x6800, s23;
	[sflag:s16] =	ssyncadd.s32 $0xFFFFC000  }
0x47: {  	[tilespmem:s24], [sflag:$0x1] =	stream.indirect.gather [hbm4b:s4+s17], $0x80, s21, s17, $0xb8;
	[tilespmem:$0x1E400] =	vst v63  }
0x48: {  	s23 =	sor.u32 $0x2800, s23  }
0x49: {  	[spmem:s2] =	stream.indirect.scatter.add.f32 [tilespmem:s23], [sflag:$0x2], $0x80, s22, s17, $0xb8;
	[tilespmem:$0x1E400] =	vst v63  }
0x4a: {  	_ =	swait.ge [sflag:s14], $0x4000  }
0x4b: {  	s23 =	simm.s32 $0x1;
	[sflag:s14] =	ssyncset.done $0x0  }
.LBB2_4:
0x4c: {  	[sflag:s14] =	ssyncadd.s32 $0xFFFFC000;
	s22 =	sadd.s32 $0x80, s22;
	s21 =	sadd.s32 $0x80, s21  }
0x4d: {  	p0 =	sne.s32 s23, $0x26;
	s24 =	smov.u32 s23;
	s23 =	sadd.s32 $0x1, s23  }
0x4e: {  	s24 =	sshll.u32 s24, $0xE;
	_ =	swait.ge [sflag:s16], $0x4000  }
0x4f: {  	s24 =	sand.u32 $0x4000, s24;
	[sflag:s16] =	ssyncset.done $0x0  }
0x50: {  	s25 =	sxor.u32 $0x6800, s24;
	[sflag:s16] =	ssyncadd.s32 $0xFFFFC000  }
0x51: {  	[tilespmem:s25], [sflag:$0x1] =	stream.indirect.gather [hbm4b:s4+s17], $0x80, s21, s17, $0xb8;
	[tilespmem:$0x1E400] =	vst v63  }
.Ltmp1:
0x52: {  	_ = 	snop;
	(pc) =	sbr.rel @p0 .LBB2_4-.Ltmp1, $4  }
0x53: {  	s24 =	sor.u32 $0x2800, s24  }
0x54: {  	[spmem:s2] =	stream.indirect.scatter.add.f32 [tilespmem:s24], [sflag:$0x2], $0x80, s22, s17, $0xb8;
	[tilespmem:$0x1E400] =	vst v63  }
0x55: {  	_ =	swait.ge [sflag:s14], $0x4000  }
0x56: {  	[sflag:s14] =	ssyncset.done $0x0  }
0x57: {  	[sflag:s14] =	ssyncadd.s32 $0xFFFFC000  }
0x58: {  	_ =	swait.ge [sflag:s16], $0x4000  }
0x59: {  	[sflag:s16] =	ssyncset.done $0x0  }
0x5a: {  	[sflag:s16] =	ssyncadd.s32 $0xFFFFC000  }
0x5b: {  	[spmem:s2] =	stream.indirect.scatter.add.f32 [tilespmem:s19], [sflag:$0x2], $0x80, s18, s17, $0xb8;
	[tilespmem:$0x1E400] =	vst v63  }
0x5c: {  	_ =	swait.ge [sflag:s14], $0x4000  }
0x5d: {  	s20 =	sadd.s32 $0x1, s20;
	[sflag:s14] =	ssyncset.done $0x0  }
0x5e: {  	p0 =	sne.s32 s20, s8;
	[sflag:s14] =	ssyncadd.s32 $0xFFFFC000  }
.Ltmp2:
0x5f: {  	[bflag:$0x0] =	sbarrier.arrive $0xFFFF;
	(pc) =	sbr.rel @p0 .LBB2_1-.Ltmp2, $4  }
0x60: {  	[hbm:s7], [sflag:s6] =	dma.local [spmem:s13], $0x2780  }
0x61: {  	_ =	swait.ge [sflag:s14], $0x2780  }
0x62: {  	[sflag:s14] =	ssyncset.done $0x0  }
0x63: {  	[sflag:s14] =	ssyncadd.s32 $0xFFFFD880  }
0x64: {  	_ =	sfence.sel $0x180000  }
0x65: {  	[bflag:$0x0] =	sbarrier.arrive $0xFFFF  }
0x66: {  	p0 =	sne.s32 s1, $0x0;
	_ =	strace $0x90000047  }
0x67: {  	s0 =	sadd.s32 @!p0 $0x100000, s0;
	[bflag:$0x2] =	sbarrier.arrive $0xFFFF  }
0x68: {  	[sflag:s0] =	ssyncadd.tile.s32 @!p0 $0x1;
	_ =	shalt  }
.Lfunc_end2:
_tile_overlayer_lowered:
.L_overlay_start_2:
0x69: {  	(tag) =	ssettag $0x2  }
0x6a: {  	s0 =	rddreg [dreg:$0x0];
	s2 =	stileid.u32  }
0x6b: {  	s1 =	rddreg [dreg:$0x1];
	p0 =	sne.s32 s2, $0x0  }
0x6c: {  	s3 =	rddreg [dreg:$0x2];
	[bflag:$0x3] =	sbarrier.arrive $0xFFFF;
	s2 =	simm.s32 @!p0 $0x1C02  }
0x6d: {  	[timem:s3], [sflag:s2] =	dma.local @!p0 [hbm:s0], s1  }
0x6e: {  	s0 =	simm.s32 @!p0 $0x2  }
0x6f: {  	_ =	swait.ge @!p0 [sflag:s0], s1  }
0x70: {  	s1 =	ssub.s32 @!p0 $0x0, s1;
	[sflag:s0] =	ssyncset.done @!p0 $0x0  }
0x71: {  	[sflag:s0] =	ssyncadd.s32 @!p0 s1  }
0x72: {  	[bflag:$0x3] =	sbarrier.arrive $0xFFFF  }
0x73: {  	_ =	shalt  }

// kernel: kernel.13.cloned.1.call-start
scs
__scs_entry_jumppad:
0x0: {  	(pc) =	sbr.rel $0x88, $3  }
0x1: {  	(tag) =	ssettag $0x0;
	lr =	simm.s32 $0x1  }
0x2: {  	[smem:$0x3F99] =	sst lr;
	_ =	strace $0xD0000000  }
0x3: {  	_ = 	snop  }
0x4: {  	_ = 	snop  }
0x5: {  	_ = 	snop  }
0x6: {  	_ = 	snop  }
0x7: {  	_ = 	snop  }
__scs_overlays_trampoline_lowered:
0x8: {  	[smem:$0x3FA8] =	sst s0  }
0x9: {  	[smem:$0x3FA9] =	sst s1  }
0xa: {  	[smem:$0x3FAA] =	sst s2  }
0xb: {  	[smem:$0x3FAB] =	sst s3  }
0xc: {  	[smem:$0x3FAC] =	sst s4  }
0xd: {  	[smem:$0x3FAD] =	sst s5  }
0xe: {  	[smem:$0x3FAE] =	sst s6  }
0xf: {  	[smem:$0x3FAF] =	sst s7  }
0x10: {  	[smem:$0x3FB0] =	sst s8  }
0x11: {  	[smem:$0x3FB1] =	sst s9;
	s0 =	simm.s32 @!p0 $0x0  }
0x12: {  	s1 =	sld [smem:$0x3F97];
	s0 =	simm.s32 @p0 $0x1  }
0x13: {  	[smem:$0x3FB2] =	sst s0;
	s0 =	simm.s32 @!p1 $0x0  }
0x14: {  	s2 =	sld [smem:$0x3F96];
	s0 =	simm.s32 @p1 $0x1  }
0x15: {  	[smem:$0x3FB3] =	sst s0;
	s0 =	simm.s32 @!p2 $0x0  }
0x16: {  	s3 =	sld [smem:$0x3FDB];
	s0 =	simm.s32 @p2 $0x1  }
0x17: {  	s4 =	simm.s32 $0x1BF5;
	[smem:$0x3FB5] =	sst s0  }
0x18: {  	s0 =	sld [smem:$0x3F98];
	_ =	swait.ge [sflag:s4], $0x0  }
0x19: {  	s7 =	sld [smem:$0x3F99]  }
0x1a: {  	s8 =	sadd.s32 $0xFFFFE003, lr  }
0x1b: {  	s9 =	sadd.s32 $0xFFFFFEF7, lr;
	s5 =	simm.s32 $0xFFFFFFFF;
	p2 =	slt.u32 s8, $0xFFFFF086  }
0x1c: {  	p1 =	slt.u32 s9, $0xF7A;
	s5 =	simm.s32 @!p2 $0x0  }
0x1d: {  	s5 =	simm.s32 @p1 $0x1;
	p0 =	seq.s32 s7, s2  }
0x1e: {  	s7 =	smul.u32 @!p0 $0xF7A, s2;
	p2 =	seq.s32 @!p0 s5, $0x0  }
0x1f: {  	s9 =	smul.u32 $0xF7A, s1;
	s8 =	simm.s32 @!p0 $0x1BF5;
	p2 =	por !p2, p0  }
0x20: {  	[sflag:s8] =	ssyncset.s32 @!p0 $0xFFFFF086;
	s6 =	sadd.s32 @!p0 s3, s7;
	s7 =	simm.s32 @!p0 $0x108  }
0x21: {  	s3 =	sadd.s32 s3, s9;
	s6 =	sadd.s32 @!p0 $0x88, s6;
	s7 =	simm.s32 @p2 $0x1082  }
0x22: {  	[simem:s7], [sflag:s8] =	dma.local @!p0 [hbm:s6], $0xF7A  }
0x23: {  	s9 =	sor.u32 $0xD0000000, s2;
	s6 =	simm.s32 $0x108;
	_ =	swait.ge @!p0 [sflag:s8], $0x0  }
0x24: {  	s3 =	sadd.s32 $0x88, s3;
	s6 =	simm.s32 @!p1 $0x1082;
	[sflag:s4] =	ssyncset.s32 $0xFFFFF086  }
0x25: {  	[simem:s6], [sflag:s4] =	dma.local [hbm:s3], $0xF7A  }
0x26: {  	[smem:$0x3F99] =	sst s1;
	(tag) =	ssettag s2;
	_ =	strace s9  }
0x27: {  	s1 =	sld [smem:$0x3FA9]  }
0x28: {  	s2 =	sld [smem:$0x3FAA]  }
0x29: {  	s4 =	sld [smem:$0x3FAC]  }
0x2a: {  	p0 =	seq.s32 s5, $0x0;
	s5 =	sld [smem:$0x3FAD]  }
0x2b: {  	s6 =	sld [smem:$0x3FAE]  }
0x2c: {  	s7 =	sld [smem:$0x3FAF]  }
0x2d: {  	s3 =	simm.s32 $0x108;
	s8 =	sld [smem:$0x3FB0]  }
0x2e: {  	s3 =	simm.s32 @!p0 $0x1082;
	s9 =	sld [smem:$0x3FB1]  }
0x2f: {  	lr =	sadd.s32 s0, s3;
	s0 =	sld [smem:$0x3FA8]  }
0x30: {  	s3 =	sld [smem:$0x3FAB]  }
0x31: {  	[smem:$0x3FB4] =	sst s10  }
0x32: {  	s10 =	sld [smem:$0x3FB2];
	_ =	sdelay $0x3  }
0x33: {  	p0 =	seq.s32 s10, $0x1;
	s10 =	sld [smem:$0x3FB4];
	_ =	sdelay $0x3  }
0x34: {  	[smem:$0x3FB4] =	sst s10  }
0x35: {  	s10 =	sld [smem:$0x3FB3];
	_ =	sdelay $0x3  }
0x36: {  	p1 =	seq.s32 s10, $0x1;
	s10 =	sld [smem:$0x3FB4];
	_ =	sdelay $0x3  }
0x37: {  	[smem:$0x3FB4] =	sst s10  }
0x38: {  	s10 =	sld [smem:$0x3FB5]  }
0x39: {  	_ = 	snop;
	(pc) =	sbr.ind lr, $3  }
0x3a: {  	_ = 	snop  }
0x3b: {  	_ = 	snop  }
0x3c: {  	p2 =	seq.s32 s10, $0x1;
	s10 =	sld [smem:$0x3FB4]  }
0x3d: {  	_ =	shalt  }
0x3e: {  	_ =	shalt  }
0x3f: {  	_ =	shalt  }
0x40: {  	_ =	shalt  }
0x41: {  	_ =	shalt  }
0x42: {  	_ =	shalt  }
0x43: {  	_ =	shalt  }
0x44: {  	_ =	shalt  }
0x45: {  	_ =	shalt  }
0x46: {  	_ =	shalt  }
0x47: {  	_ =	shalt  }
0x48: {  	_ =	shalt  }
0x49: {  	_ =	shalt  }
0x4a: {  	_ =	shalt  }
0x4b: {  	_ =	shalt  }
0x4c: {  	_ =	shalt  }
0x4d: {  	_ =	shalt  }
0x4e: {  	_ =	shalt  }
0x4f: {  	_ =	shalt  }
0x50: {  	_ =	shalt  }
0x51: {  	_ =	shalt  }
0x52: {  	_ =	shalt  }
0x53: {  	_ =	shalt  }
0x54: {  	_ =	shalt  }
0x55: {  	_ =	shalt  }
0x56: {  	_ =	shalt  }
0x57: {  	_ =	shalt  }
0x58: {  	_ =	shalt  }
0x59: {  	_ =	shalt  }
0x5a: {  	_ =	shalt  }
0x5b: {  	_ =	shalt  }
0x5c: {  	_ =	shalt  }
0x5d: {  	_ =	shalt  }
0x5e: {  	_ =	shalt  }
0x5f: {  	_ =	shalt  }
0x60: {  	_ =	shalt  }
0x61: {  	_ =	shalt  }
0x62: {  	_ =	shalt  }
0x63: {  	_ =	shalt  }
0x64: {  	_ =	shalt  }
0x65: {  	_ =	shalt  }
0x66: {  	_ =	shalt  }
0x67: {  	_ =	shalt  }
0x68: {  	_ =	shalt  }
0x69: {  	_ =	shalt  }
0x6a: {  	_ =	shalt  }
0x6b: {  	_ =	shalt  }
0x6c: {  	_ =	shalt  }
0x6d: {  	_ =	shalt  }
0x6e: {  	_ =	shalt  }
0x6f: {  	_ =	shalt  }
0x70: {  	_ =	shalt  }
0x71: {  	_ =	shalt  }
0x72: {  	_ =	shalt  }
0x73: {  	_ =	shalt  }
0x74: {  	_ =	shalt  }
0x75: {  	_ =	shalt  }
0x76: {  	_ =	shalt  }
0x77: {  	_ =	shalt  }
0x78: {  	_ =	shalt  }
0x79: {  	_ =	shalt  }
0x7a: {  	_ =	shalt  }
0x7b: {  	_ =	shalt  }
0x7c: {  	_ =	shalt  }
0x7d: {  	_ =	shalt  }
0x7e: {  	_ =	shalt  }
0x7f: {  	_ =	shalt  }
0x80: {  	_ =	shalt  }
0x81: {  	_ =	shalt  }
0x82: {  	_ =	shalt  }
0x83: {  	_ =	shalt  }
0x84: {  	_ =	shalt  }
0x85: {  	_ =	shalt  }
0x86: {  	_ =	shalt  }
0x87: {  	_ =	shalt  }
.Lfunc_end0:
.L_simem_size_0:
called_computation.2_lowered:
.L_overlay_start_0:
0x88: {  	s2 =	sld [smem:$0x3FD9]  }
0x89: {  	s3 =	sld [smem:$0x3FFE];
	_ =	sdelay $0x1  }
0x8a: {  	s1 =	srdreg.scid  }
0x8b: {  	s0 =	sand.u32 $0x1, s1  }
0x8c: {  	s17 =	sshll.u32 s0, $0xA;
	s2 =	sadd.s32 s3, s2  }
0x8d: {  	s2 =	sadd.s32 s2, s17  }
0x8e: {  	[smem:$0x3FC0] =	sst s2  }
0x8f: {  	_ = 	snop  }
0x90: {  	s2 =	sld [smem:$0x3FD0];
	(tm) =	ssettm $0x1  }
0x91: {  	s18 =	sld [smem:$0x3FFB];
	_ =	sdelay $0x3  }
0x92: {  	_ =	strace s18  }
0x93: {  	s3 =	sld [smem:$0x3FFC];
	_ =	sdelay $0x3  }
0x94: {  	_ =	strace s3  }
0x95: {  	s3 =	sld [smem:$0x3FFD];
	_ =	sdelay $0x3  }
0x96: {  	_ =	strace s3  }
0x97: {  	_ =	strace $0x8FFFFFFF  }
0x98: {  	s19 =	sld [smem:$0x3FDB];
	_ =	sdelay $0x1  }
0x99: {  	s4 =	simm.s32 $_scs_section_size  }
0x9a: {  	s5 =	simm.s32 $_size__tile_overlayer_lowered;
	s6 =	simm.s32 $_tile_overlayer_lowered  }
0x9b: {  	s22 =	simm.s32 $0x1BFF;
	s21 =	sshll.u32 s6, $0x1;
	s3 =	sadd.s32 s4, s19  }
0x9c: {  	s7 =	simm.s32 $0x0;
	s20 =	sshll.u32 s5, $0x1;
	s5 =	sadd.s32 s21, s3  }
0x9d: {  	[timem:s7], [sflag:s22] =	dma.local [hbm:s5], s20  }
0x9e: {  	_ =	swait.ge [sflag:s22], s20  }
0x9f: {  	s4 =	ssub.s32 $0x0, s20;
	[sflag:s22] =	ssyncset.done $0x0  }
0xa0: {  	[sflag:s22] =	ssyncadd.s32 s4;
	_ =	sdelay $0x1  }
0xa1: {  	s23 =	simm.s32 $0x1B8B  }
0xa2: {  	_ =	swait.ge [sflag:s23], $0x1  }
0xa3: {  	[sflag:s23] =	ssyncset.done $0x0  }
0xa4: {  	s25 =	simm.s32 $0x1B8E;
	s24 =	sld [smem:$0x3FFE];
	[sflag:s23] =	ssyncadd.s32 $0xFFFFFFFF  }
0xa5: {  	s26 =	simm.s32 $execute0_lowered;
	[smem:$0x3FD2] =	sst s25  }
0xa6: {  	s5 =	sshll.u32 s26, $0x1;
	_ =	strace $0x8000004C;
	[dreg:$0x1] =	wrdreg $0xFFFFFFFF  }
0xa7: {  	s28 =	simm.s32 $_size_execute0_lowered;
	s3 =	sadd.s32 s3, s5;
	[dreg:$0x0] =	wrdreg $0x0  }
0xa8: {  	s5 =	sshll.u32 s28, $0x1;
	[dreg:$0x2] =	wrdreg s3  }
0xa9: {  	[dreg:$0x3] =	wrdreg s5  }
0xaa: {  	[dreg:$0x4] =	wrdreg $0xC0  }
0xab: {  	_ =	task [dreg:s7], $0x5FFFF  }
0xac: {  	[dreg:$0x1] =	wrdreg $0xFFFFFFFF  }
0xad: {  	[dreg:$0x0] =	wrdreg $0x60  }
0xae: {  	[dreg:$0x2] =	wrdreg s24  }
0xaf: {  	[dreg:$0x3] =	wrdreg s2  }
0xb0: {  	[dreg:$0x4] =	wrdreg $0xA8000  }
0xb1: {  	[dreg:$0x5] =	wrdreg $0x9  }
0xb2: {  	_ =	task.clear_ibuf [dreg:s7], $0x6FFFF;
	_ =	strace $0x9000004C  }
0xb3: {  	s29 =	simm.s32 $0x9;
	_ =	strace $0x8000004E  }
0xb4: {  	_ =	swait.ge [sflag:s29], $0x1  }
0xb5: {  	[sflag:s29] =	ssyncadd.s32 $0xFFFFFFFF  }
0xb6: {  	_ =	strace $0x9000004E  }
0xb7: {  	_ =	sfence  }
0xb8: {  	s30 =	sld [smem:$0x0];
	_ =	sdelay $0x2  }
0xb9: {  	s31 =	sshll.u32 s1, $0xD;
	s1 =	sshrl.u32 s1, $0x2  }
0xba: {  	s3 =	sand.u32 $0x4000, s31;
	s1 =	sadd.s32 s1, s30  }
0xbb: {  	s0 =	sor.u32 s3, s0;
	s1 =	sshll.u32 s1, $0x11  }
0xbc: {  	s0 =	sor.u32 s1, s0  }
0xbd: {  	s0 =	sadd.s32 $0x8F2B, s0  }
0xbe: {  	[sflag:s0] =	ssyncadd.remote.s32 $0x1  }
0xbf: {  	_ =	sfence.sel $0xFFFF  }
0xc0: {  	[dreg:$0x0] =	wrdreg $0xFFFFFFFF;
	(pc) =	sbr.abs _section_cstart, $3  }
0xc1: {  	[dreg:$0x1] =	wrdreg $0xFFFFFFFF  }
0xc2: {  	_ =	task.clear_ibuf [dreg:s7], $0x2FFFF;
	_ =	strace $0x9FFFFFFF  }
0xc3: {  	(tm) =	ssettm $0x7FFFFFFF  }
tec
execute0_lowered:
.L_overlay_start_1:
0x0: {  	(tag) =	ssettag $0x1  }
0x1: {  	s6 =	rddreg [dreg:$0x0]  }
0x2: {  	s12 =	rddreg [dreg:$0x1]  }
0x3: {  	s2 =	rddreg [dreg:$0x2]  }
0x4: {  	s0 =	rddreg [dreg:$0x3]  }
0x5: {  	s4 =	srdreg.scid;
	s1 =	stileid.u32;
	s3 =	simm.s32 $0x0  }
0x6: {  	s16 =	simm.s32 $0x1;
	s17 =	simm.s32 $0x80;
	s18 =	simm.s32 $0x2780  }
0x7: {  	s19 =	simm.s32 $0x6800;
	s20 =	simm.s32 $0x0;
	s7 =	sand.u32 $0x1, s4  }
0x8: {  	s8 =	smul.u32 $0x2780, s1;
	[smem:$0x7FF] =	sst s3;
	s4 =	sadd.s32 $0xC400, s6  }
0x9: {  	s11 =	sadd.s32 $0x2400, s6;
	s5 =	sadd.s32 $0x33C00, s6;
	s10 =	smul.u32 $0x4F000, s1  }
0xa: {  	s13 =	sshll.u32 s1, $0x6;
	s9 =	smul.u32 $0x27800, s7;
	s29 =	ssub.s32 $0x2, s7  }
0xb: {  	_ =	strace $0x8000004D;
	s7 =	sshll.u32 s7, $0x4;
	s30 =	sshrl.u32 s29, $0x1  }
0xc: {  	s7 =	sor.u32 s1, s7;
	s10 =	sshrl.u32 s10, $0x2;
	s8 =	sadd.s32 s8, s9  }
0xd: {  	s14 =	smul.u32 $0x500, s7;
	s9 =	ssub.s32 s29, s30;
	s15 =	sadd.s32 s10, s2  }
0xe: {  	s8 =	sadd.s32 s8, s6;
	s6 =	sor.u32 $0x1C02, s13;
	s13 =	sshrl.u32 s15, $0x3  }
0xf: {  	s15 =	simm.s32 $0x2800;
	s7 =	sadd.s32 $0x36400, s8;
	s8 =	smax.u32 s9, $0x1  }
0x10: {  	s31 =	sadd.s32 $0x280, s14;
	s9 =	sadd.s32 s11, s14;
	s10 =	sadd.s32 s12, s14  }
0x11: {  	s14 =	simm.s32 $0x2;
	s11 =	sadd.s32 s11, s31;
	s12 =	sadd.s32 s12, s31  }
.LBB2_1:
0x12: {  	[spmem:s13], [sflag:s6] =	dma.local [hbm:s5], $0x2780  }
0x13: {  	_ =	swait.ge [sflag:s14], $0x2780  }
0x14: {  	[sflag:s14] =	ssyncset.done $0x0  }
0x15: {  	[sflag:s14] =	ssyncadd.s32 $0xFFFFD880  }
0x16: {  	[bflag:$0x0] =	sbarrier.arrive $0xFFFF  }
0x17: {  	[tilespmem:s3], [sflag:$0x2] =	stream.linear.gather [hbm4b:s9+s3], $0x1400, $0x38;
	[tilespmem:$0x1E400] =	vst v63  }
0x18: {  	_ =	swait.ge [sflag:s14], $0x1400  }
0x19: {  	[sflag:s14] =	ssyncset.done $0x0  }
0x1a: {  	s21 =	simm.s32 $0x1400;
	[sflag:s14] =	ssyncadd.s32 $0xFFFFEC00  }
0x1b: {  	[tilespmem:s21], [sflag:$0x2] =	stream.linear.gather [hbm4b:s10+s3], $0x1400, $0x38;
	[tilespmem:$0x1E400] =	vst v63  }
0x1c: {  	_ =	swait.ge [sflag:s14], $0x1400  }
0x1d: {  	[sflag:s14] =	ssyncset.done $0x0  }
0x1e: {  	[sflag:s14] =	ssyncadd.s32 $0xFFFFEC00  }
0x1f: {  	[tilespmem:s15], [sflag:$0x1] =	stream.indirect.gather [hbm4b:s4+s17], $0x80, s3, s17, $0xb8;
	[tilespmem:$0x1E400] =	vst v63  }
0x20: {  	s22 =	simm.s32 $0x0;
	_ =	swait.ge [sflag:s16], $0x4000  }
0x21: {  	s22 =	sand.u32 $0x4000, s22;
	[sflag:s16] =	ssyncset.done $0x0  }
0x22: {  	s23 =	sxor.u32 $0x6800, s22;
	[sflag:s16] =	ssyncadd.s32 $0xFFFFC000  }
0x23: {  	[tilespmem:s23], [sflag:$0x1] =	stream.indirect.gather [hbm4b:s4+s17], $0x80, s17, s17, $0xb8;
	[tilespmem:$0x1E400] =	vst v63  }
0x24: {  	s22 =	sor.u32 $0x2800, s22  }
0x25: {  	[spmem:s2] =	stream.indirect.scatter.add.f32 [tilespmem:s22], [sflag:$0x2], $0x80, s21, s17, $0xb8;
	[tilespmem:$0x1E400] =	vst v63  }
0x26: {  	_ =	swait.ge [sflag:s14], $0x4000  }
0x27: {  	s23 =	simm.s32 $0x80;
	s22 =	simm.s32 $0x1;
	[sflag:s14] =	ssyncset.done $0x0  }
.LBB2_2:
0x28: {  	[sflag:s14] =	ssyncadd.s32 $0xFFFFC000;
	s21 =	sadd.s32 $0x80, s21;
	s23 =	sadd.s32 $0x80, s23  }
0x29: {  	p0 =	sne.s32 s22, $0x26;
	s24 =	smov.u32 s22;
	s22 =	sadd.s32 $0x1, s22  }
0x2a: {  	s24 =	sshll.u32 s24, $0xE;
	_ =	swait.ge [sflag:s16], $0x4000  }
0x2b: {  	s24 =	sand.u32 $0x4000, s24;
	[sflag:s16] =	ssyncset.done $0x0  }
0x2c: {  	s25 =	sxor.u32 $0x6800, s24;
	[sflag:s16] =	ssyncadd.s32 $0xFFFFC000  }
0x2d: {  	[tilespmem:s25], [sflag:$0x1] =	stream.indirect.gather [hbm4b:s4+s17], $0x80, s23, s17, $0xb8;
	[tilespmem:$0x1E400] =	vst v63  }
.Ltmp0:
0x2e: {  	_ = 	snop;
	(pc) =	sbr.rel @p0 .LBB2_2-.Ltmp0, $4  }
0x2f: {  	s24 =	sor.u32 $0x2800, s24  }
0x30: {  	[spmem:s2] =	stream.indirect.scatter.add.f32 [tilespmem:s24], [sflag:$0x2], $0x80, s21, s17, $0xb8;
	[tilespmem:$0x1E400] =	vst v63  }
0x31: {  	_ =	swait.ge [sflag:s14], $0x4000  }
0x32: {  	[sflag:s14] =	ssyncset.done $0x0  }
0x33: {  	[sflag:s14] =	ssyncadd.s32 $0xFFFFC000  }
0x34: {  	_ =	swait.ge [sflag:s16], $0x4000  }
0x35: {  	[sflag:s16] =	ssyncset.done $0x0  }
0x36: {  	s21 =	simm.s32 $0x80;
	[sflag:s16] =	ssyncadd.s32 $0xFFFFC000  }
0x37: {  	[spmem:s2] =	stream.indirect.scatter.add.f32 [tilespmem:s19], [sflag:$0x2], $0x80, s18, s21, $0xb8;
	[tilespmem:$0x1E400] =	vst v63  }
0x38: {  	_ =	swait.ge [sflag:s14], $0x4000  }
0x39: {  	[sflag:s14] =	ssyncset.done $0x0  }
0x3a: {  	s23 =	simm.s32 $0x0;
	[sflag:s14] =	ssyncadd.s32 $0xFFFFC000  }
0x3b: {  	[tilespmem:s23], [sflag:$0x2] =	stream.linear.gather [hbm4b:s11+s23], $0x1400, $0x38;
	[tilespmem:$0x1E400] =	vst v63  }
0x3c: {  	_ =	swait.ge [sflag:s14], $0x1400  }
0x3d: {  	[sflag:s14] =	ssyncset.done $0x0  }
0x3e: {  	s22 =	simm.s32 $0x1400;
	[sflag:s14] =	ssyncadd.s32 $0xFFFFEC00  }
0x3f: {  	[tilespmem:s22], [sflag:$0x2] =	stream.linear.gather [hbm4b:s12+s23], $0x1400, $0x38;
	[tilespmem:$0x1E400] =	vst v63  }
0x40: {  	_ =	swait.ge [sflag:s14], $0x1400  }
0x41: {  	[sflag:s14] =	ssyncset.done $0x0  }
0x42: {  	[sflag:s14] =	ssyncadd.s32 $0xFFFFEC00  }
0x43: {  	[tilespmem:s15], [sflag:$0x1] =	stream.indirect.gather [hbm4b:s4+s21], $0x80, s23, s21, $0xb8;
	[tilespmem:$0x1E400] =	vst v63  }
0x44: {  	s31 =	simm.s32 $0x0;
	_ =	swait.ge [sflag:s16], $0x4000  }
0x45: {  	s23 =	sand.u32 $0x4000, s31;
	[sflag:s16] =	ssyncset.done $0x0  }
0x46: {  	s24 =	sxor.u32 $0x6800, s23;
	[sflag:s16] =	ssyncadd.s32 $0xFFFFC000  }
0x47: {  	[tilespmem:s24], [sflag:$0x1] =	stream.indirect.gather [hbm4b:s4+s17], $0x80, s21, s17, $0xb8;
	[tilespmem:$0x1E400] =	vst v63  }
0x48: {  	s23 =	sor.u32 $0x2800, s23  }
0x49: {  	[spmem:s2] =	stream.indirect.scatter.add.f32 [tilespmem:s23], [sflag:$0x2], $0x80, s22, s17, $0xb8;
	[tilespmem:$0x1E400] =	vst v63  }
0x4a: {  	_ =	swait.ge [sflag:s14], $0x4000  }
0x4b: {  	s23 =	simm.s32 $0x1;
	[sflag:s14] =	ssyncset.done $0x0  }
.LBB2_4:
0x4c: {  	[sflag:s14] =	ssyncadd.s32 $0xFFFFC000;
	s22 =	sadd.s32 $0x80, s22;
	s21 =	sadd.s32 $0x80, s21  }
0x4d: {  	p0 =	sne.s32 s23, $0x26;
	s24 =	smov.u32 s23;
	s23 =	sadd.s32 $0x1, s23  }
0x4e: {  	s24 =	sshll.u32 s24, $0xE;
	_ =	swait.ge [sflag:s16], $0x4000  }
0x4f: {  	s24 =	sand.u32 $0x4000, s24;
	[sflag:s16] =	ssyncset.done $0x0  }
0x50: {  	s25 =	sxor.u32 $0x6800, s24;
	[sflag:s16] =	ssyncadd.s32 $0xFFFFC000  }
0x51: {  	[tilespmem:s25], [sflag:$0x1] =	stream.indirect.gather [hbm4b:s4+s17], $0x80, s21, s17, $0xb8;
	[tilespmem:$0x1E400] =	vst v63  }
.Ltmp1:
0x52: {  	_ = 	snop;
	(pc) =	sbr.rel @p0 .LBB2_4-.Ltmp1, $4  }
0x53: {  	s24 =	sor.u32 $0x2800, s24  }
0x54: {  	[spmem:s2] =	stream.indirect.scatter.add.f32 [tilespmem:s24], [sflag:$0x2], $0x80, s22, s17, $0xb8;
	[tilespmem:$0x1E400] =	vst v63  }
0x55: {  	_ =	swait.ge [sflag:s14], $0x4000  }
0x56: {  	[sflag:s14] =	ssyncset.done $0x0  }
0x57: {  	[sflag:s14] =	ssyncadd.s32 $0xFFFFC000  }
0x58: {  	_ =	swait.ge [sflag:s16], $0x4000  }
0x59: {  	[sflag:s16] =	ssyncset.done $0x0  }
0x5a: {  	[sflag:s16] =	ssyncadd.s32 $0xFFFFC000  }
0x5b: {  	[spmem:s2] =	stream.indirect.scatter.add.f32 [tilespmem:s19], [sflag:$0x2], $0x80, s18, s17, $0xb8;
	[tilespmem:$0x1E400] =	vst v63  }
0x5c: {  	_ =	swait.ge [sflag:s14], $0x4000  }
0x5d: {  	s20 =	sadd.s32 $0x1, s20;
	[sflag:s14] =	ssyncset.done $0x0  }
0x5e: {  	p0 =	sne.s32 s20, s8;
	[sflag:s14] =	ssyncadd.s32 $0xFFFFC000  }
.Ltmp2:
0x5f: {  	[bflag:$0x0] =	sbarrier.arrive $0xFFFF;
	(pc) =	sbr.rel @p0 .LBB2_1-.Ltmp2, $4  }
0x60: {  	[hbm:s7], [sflag:s6] =	dma.local [spmem:s13], $0x2780  }
0x61: {  	_ =	swait.ge [sflag:s14], $0x2780  }
0x62: {  	[sflag:s14] =	ssyncset.done $0x0  }
0x63: {  	[sflag:s14] =	ssyncadd.s32 $0xFFFFD880  }
0x64: {  	_ =	sfence.sel $0x180000  }
0x65: {  	[bflag:$0x0] =	sbarrier.arrive $0xFFFF  }
0x66: {  	p0 =	sne.s32 s1, $0x0;
	_ =	strace $0x9000004D  }
0x67: {  	s0 =	sadd.s32 @!p0 $0x100000, s0;
	[bflag:$0x2] =	sbarrier.arrive $0xFFFF  }
0x68: {  	[sflag:s0] =	ssyncadd.tile.s32 @!p0 $0x1;
	_ =	shalt  }
.Lfunc_end2:
_tile_overlayer_lowered:
.L_overlay_start_2:
0x69: {  	(tag) =	ssettag $0x2  }
0x6a: {  	s0 =	rddreg [dreg:$0x0];
	s2 =	stileid.u32  }
0x6b: {  	s1 =	rddreg [dreg:$0x1];
	p0 =	sne.s32 s2, $0x0  }
0x6c: {  	s3 =	rddreg [dreg:$0x2];
	[bflag:$0x3] =	sbarrier.arrive $0xFFFF;
	s2 =	simm.s32 @!p0 $0x1C02  }
0x6d: {  	[timem:s3], [sflag:s2] =	dma.local @!p0 [hbm:s0], s1  }
0x6e: {  	s0 =	simm.s32 @!p0 $0x2  }
0x6f: {  	_ =	swait.ge @!p0 [sflag:s0], s1  }
0x70: {  	s1 =	ssub.s32 @!p0 $0x0, s1;
	[sflag:s0] =	ssyncset.done @!p0 $0x0  }
0x71: {  	[sflag:s0] =	ssyncadd.s32 @!p0 s1  }
0x72: {  	[bflag:$0x3] =	sbarrier.arrive $0xFFFF  }
0x73: {  	_ =	shalt  }

// kernel: kernel.7.cloned.1.call-start
scs
__scs_entry_jumppad:
0x0: {  	(pc) =	sbr.rel $0x88, $3  }
0x1: {  	(tag) =	ssettag $0x0;
	lr =	simm.s32 $0x1  }
0x2: {  	[smem:$0x3F99] =	sst lr;
	_ =	strace $0xD0000000  }
0x3: {  	_ = 	snop  }
0x4: {  	_ = 	snop  }
0x5: {  	_ = 	snop  }
0x6: {  	_ = 	snop  }
0x7: {  	_ = 	snop  }
__scs_overlays_trampoline_lowered:
0x8: {  	[smem:$0x3FA8] =	sst s0  }
0x9: {  	[smem:$0x3FA9] =	sst s1  }
0xa: {  	[smem:$0x3FAA] =	sst s2  }
0xb: {  	[smem:$0x3FAB] =	sst s3  }
0xc: {  	[smem:$0x3FAC] =	sst s4  }
0xd: {  	[smem:$0x3FAD] =	sst s5  }
0xe: {  	[smem:$0x3FAE] =	sst s6  }
0xf: {  	[smem:$0x3FAF] =	sst s7  }
0x10: {  	[smem:$0x3FB0] =	sst s8  }
0x11: {  	[smem:$0x3FB1] =	sst s9;
	s0 =	simm.s32 @!p0 $0x0  }
0x12: {  	s1 =	sld [smem:$0x3F97];
	s0 =	simm.s32 @p0 $0x1  }
0x13: {  	[smem:$0x3FB2] =	sst s0;
	s0 =	simm.s32 @!p1 $0x0  }
0x14: {  	s2 =	sld [smem:$0x3F96];
	s0 =	simm.s32 @p1 $0x1  }
0x15: {  	[smem:$0x3FB3] =	sst s0;
	s0 =	simm.s32 @!p2 $0x0  }
0x16: {  	s3 =	sld [smem:$0x3FDB];
	s0 =	simm.s32 @p2 $0x1  }
0x17: {  	s4 =	simm.s32 $0x1BF5;
	[smem:$0x3FB5] =	sst s0  }
0x18: {  	s0 =	sld [smem:$0x3F98];
	_ =	swait.ge [sflag:s4], $0x0  }
0x19: {  	s7 =	sld [smem:$0x3F99]  }
0x1a: {  	s8 =	sadd.s32 $0xFFFFE003, lr  }
0x1b: {  	s9 =	sadd.s32 $0xFFFFFEF7, lr;
	s5 =	simm.s32 $0xFFFFFFFF;
	p2 =	slt.u32 s8, $0xFFFFF086  }
0x1c: {  	p1 =	slt.u32 s9, $0xF7A;
	s5 =	simm.s32 @!p2 $0x0  }
0x1d: {  	s5 =	simm.s32 @p1 $0x1;
	p0 =	seq.s32 s7, s2  }
0x1e: {  	s7 =	smul.u32 @!p0 $0xF7A, s2;
	p2 =	seq.s32 @!p0 s5, $0x0  }
0x1f: {  	s9 =	smul.u32 $0xF7A, s1;
	s8 =	simm.s32 @!p0 $0x1BF5;
	p2 =	por !p2, p0  }
0x20: {  	[sflag:s8] =	ssyncset.s32 @!p0 $0xFFFFF086;
	s6 =	sadd.s32 @!p0 s3, s7;
	s7 =	simm.s32 @!p0 $0x108  }
0x21: {  	s3 =	sadd.s32 s3, s9;
	s6 =	sadd.s32 @!p0 $0x88, s6;
	s7 =	simm.s32 @p2 $0x1082  }
0x22: {  	[simem:s7], [sflag:s8] =	dma.local @!p0 [hbm:s6], $0xF7A  }
0x23: {  	s9 =	sor.u32 $0xD0000000, s2;
	s6 =	simm.s32 $0x108;
	_ =	swait.ge @!p0 [sflag:s8], $0x0  }
0x24: {  	s3 =	sadd.s32 $0x88, s3;
	s6 =	simm.s32 @!p1 $0x1082;
	[sflag:s4] =	ssyncset.s32 $0xFFFFF086  }
0x25: {  	[simem:s6], [sflag:s4] =	dma.local [hbm:s3], $0xF7A  }
0x26: {  	[smem:$0x3F99] =	sst s1;
	(tag) =	ssettag s2;
	_ =	strace s9  }
0x27: {  	s1 =	sld [smem:$0x3FA9]  }
0x28: {  	s2 =	sld [smem:$0x3FAA]  }
0x29: {  	s4 =	sld [smem:$0x3FAC]  }
0x2a: {  	p0 =	seq.s32 s5, $0x0;
	s5 =	sld [smem:$0x3FAD]  }
0x2b: {  	s6 =	sld [smem:$0x3FAE]  }
0x2c: {  	s7 =	sld [smem:$0x3FAF]  }
0x2d: {  	s3 =	simm.s32 $0x108;
	s8 =	sld [smem:$0x3FB0]  }
0x2e: {  	s3 =	simm.s32 @!p0 $0x1082;
	s9 =	sld [smem:$0x3FB1]  }
0x2f: {  	lr =	sadd.s32 s0, s3;
	s0 =	sld [smem:$0x3FA8]  }
0x30: {  	s3 =	sld [smem:$0x3FAB]  }
0x31: {  	[smem:$0x3FB4] =	sst s10  }
0x32: {  	s10 =	sld [smem:$0x3FB2];
	_ =	sdelay $0x3  }
0x33: {  	p0 =	seq.s32 s10, $0x1;
	s10 =	sld [smem:$0x3FB4];
	_ =	sdelay $0x3  }
0x34: {  	[smem:$0x3FB4] =	sst s10  }
0x35: {  	s10 =	sld [smem:$0x3FB3];
	_ =	sdelay $0x3  }
0x36: {  	p1 =	seq.s32 s10, $0x1;
	s10 =	sld [smem:$0x3FB4];
	_ =	sdelay $0x3  }
0x37: {  	[smem:$0x3FB4] =	sst s10  }
0x38: {  	s10 =	sld [smem:$0x3FB5]  }
0x39: {  	_ = 	snop;
	(pc) =	sbr.ind lr, $3  }
0x3a: {  	_ = 	snop  }
0x3b: {  	_ = 	snop  }
0x3c: {  	p2 =	seq.s32 s10, $0x1;
	s10 =	sld [smem:$0x3FB4]  }
0x3d: {  	_ =	shalt  }
0x3e: {  	_ =	shalt  }
0x3f: {  	_ =	shalt  }
0x40: {  	_ =	shalt  }
0x41: {  	_ =	shalt  }
0x42: {  	_ =	shalt  }
0x43: {  	_ =	shalt  }
0x44: {  	_ =	shalt  }
0x45: {  	_ =	shalt  }
0x46: {  	_ =	shalt  }
0x47: {  	_ =	shalt  }
0x48: {  	_ =	shalt  }
0x49: {  	_ =	shalt  }
0x4a: {  	_ =	shalt  }
0x4b: {  	_ =	shalt  }
0x4c: {  	_ =	shalt  }
0x4d: {  	_ =	shalt  }
0x4e: {  	_ =	shalt  }
0x4f: {  	_ =	shalt  }
0x50: {  	_ =	shalt  }
0x51: {  	_ =	shalt  }
0x52: {  	_ =	shalt  }
0x53: {  	_ =	shalt  }
0x54: {  	_ =	shalt  }
0x55: {  	_ =	shalt  }
0x56: {  	_ =	shalt  }
0x57: {  	_ =	shalt  }
0x58: {  	_ =	shalt  }
0x59: {  	_ =	shalt  }
0x5a: {  	_ =	shalt  }
0x5b: {  	_ =	shalt  }
0x5c: {  	_ =	shalt  }
0x5d: {  	_ =	shalt  }
0x5e: {  	_ =	shalt  }
0x5f: {  	_ =	shalt  }
0x60: {  	_ =	shalt  }
0x61: {  	_ =	shalt  }
0x62: {  	_ =	shalt  }
0x63: {  	_ =	shalt  }
0x64: {  	_ =	shalt  }
0x65: {  	_ =	shalt  }
0x66: {  	_ =	shalt  }
0x67: {  	_ =	shalt  }
0x68: {  	_ =	shalt  }
0x69: {  	_ =	shalt  }
0x6a: {  	_ =	shalt  }
0x6b: {  	_ =	shalt  }
0x6c: {  	_ =	shalt  }
0x6d: {  	_ =	shalt  }
0x6e: {  	_ =	shalt  }
0x6f: {  	_ =	shalt  }
0x70: {  	_ =	shalt  }
0x71: {  	_ =	shalt  }
0x72: {  	_ =	shalt  }
0x73: {  	_ =	shalt  }
0x74: {  	_ =	shalt  }
0x75: {  	_ =	shalt  }
0x76: {  	_ =	shalt  }
0x77: {  	_ =	shalt  }
0x78: {  	_ =	shalt  }
0x79: {  	_ =	shalt  }
0x7a: {  	_ =	shalt  }
0x7b: {  	_ =	shalt  }
0x7c: {  	_ =	shalt  }
0x7d: {  	_ =	shalt  }
0x7e: {  	_ =	shalt  }
0x7f: {  	_ =	shalt  }
0x80: {  	_ =	shalt  }
0x81: {  	_ =	shalt  }
0x82: {  	_ =	shalt  }
0x83: {  	_ =	shalt  }
0x84: {  	_ =	shalt  }
0x85: {  	_ =	shalt  }
0x86: {  	_ =	shalt  }
0x87: {  	_ =	shalt  }
.Lfunc_end0:
.L_simem_size_0:
called_computation_lowered:
.L_overlay_start_0:
0x88: {  	s2 =	sld [smem:$0x3FD9]  }
0x89: {  	s3 =	sld [smem:$0x3FFE];
	_ =	sdelay $0x1  }
0x8a: {  	s1 =	srdreg.scid  }
0x8b: {  	s0 =	sand.u32 $0x1, s1  }
0x8c: {  	s17 =	sshll.u32 s0, $0xA;
	s2 =	sadd.s32 s3, s2  }
0x8d: {  	s2 =	sadd.s32 s2, s17  }
0x8e: {  	[smem:$0x3FC0] =	sst s2  }
0x8f: {  	_ = 	snop  }
0x90: {  	s18 =	sld [smem:$0x3FD0];
	(tm) =	ssettm $0x1  }
0x91: {  	s19 =	sld [smem:$0x3FFB];
	_ =	sdelay $0x3  }
0x92: {  	_ =	strace s19  }
0x93: {  	s2 =	sld [smem:$0x3FFC];
	_ =	sdelay $0x3  }
0x94: {  	_ =	strace s2  }
0x95: {  	s2 =	sld [smem:$0x3FFD];
	_ =	sdelay $0x3  }
0x96: {  	_ =	strace s2  }
0x97: {  	_ =	strace $0x8FFFFFFF  }
0x98: {  	s20 =	sld [smem:$0x3FDB];
	_ =	sdelay $0x1  }
0x99: {  	s4 =	simm.s32 $_scs_section_size  }
0x9a: {  	s5 =	simm.s32 $_size__tile_overlayer_lowered;
	s6 =	simm.s32 $_tile_overlayer_lowered  }
0x9b: {  	s7 =	simm.s32 $0x1BFF;
	s21 =	sshll.u32 s6, $0x1;
	s4 =	sadd.s32 s4, s20  }
0x9c: {  	s22 =	simm.s32 $0x0;
	s5 =	sshll.u32 s5, $0x1;
	s6 =	sadd.s32 s21, s4  }
0x9d: {  	[timem:s22], [sflag:s7] =	dma.local [hbm:s6], s5  }
0x9e: {  	_ =	swait.ge [sflag:s7], s5  }
0x9f: {  	s5 =	ssub.s32 $0x0, s5;
	[sflag:s7] =	ssyncset.done $0x0  }
0xa0: {  	[sflag:s7] =	ssyncadd.s32 s5;
	_ =	sdelay $0x1  }
0xa1: {  	s23 =	simm.s32 $0x1B8B  }
0xa2: {  	_ =	swait.ge [sflag:s23], $0x1  }
0xa3: {  	[sflag:s23] =	ssyncset.done $0x0  }
0xa4: {  	[sflag:s23] =	ssyncadd.s32 $0xFFFFFFFF  }
0xa5: {  	s5 =	sld [smem:$0x0]  }
0xa6: {  	s6 =	sand.u32 $0xFFFFFFFE, s1  }
0xa7: {  	p0 =	sne.s32 s1, s6  }
0xa8: {  	s6 =	sshll.u32 @p0 s6, $0xE  }
0xa9: {  	s6 =	sadd.s32 @p0 $0x11B8D, s6;
	s7 =	sshll.u32 @p0 s5, $0x11  }
0xaa: {  	s6 =	sor.u32 @p0 s7, s6  }
0xab: {  	[sflag:s6] =	ssyncadd.remote.s32 @p0 $0x1;
	_ =	sdelay $0x1  }
0xac: {  	s6 =	simm.s32 @p0 $0x1B8D  }
0xad: {  	_ =	swait.eq @p0 [sflag:s6], $0x1  }
0xae: {  	[sflag:s6] =	ssyncadd.s32 @p0 $0xFFFFFFFF  }
0xaf: {  	s7 =	sshll.u32 @!p0 s1, $0xE  }
0xb0: {  	s7 =	sor.u32 @!p0 $0x4000, s7;
	s6 =	simm.s32 @!p0 $0x1B8D  }
0xb1: {  	s5 =	sshll.u32 @!p0 s5, $0x11;
	s7 =	sadd.s32 @!p0 $0x11B8D, s7;
	_ =	swait.eq @!p0 [sflag:s6], $0x1  }
0xb2: {  	s5 =	sor.u32 @!p0 s5, s7;
	[sflag:s6] =	ssyncadd.s32 @!p0 $0xFFFFFFFF  }
0xb3: {  	s25 =	simm.s32 $0x1B8E;
	s24 =	sld [smem:$0x3FFE];
	[sflag:s5] =	ssyncadd.remote.s32 @!p0 $0x1  }
0xb4: {  	s26 =	simm.s32 $execute0_lowered;
	[smem:$0x3FD2] =	sst s25  }
0xb5: {  	s6 =	sshll.u32 s26, $0x1;
	_ =	strace $0x80000049;
	[dreg:$0x1] =	wrdreg $0xFFFFFFFF  }
0xb6: {  	s28 =	simm.s32 $_size_execute0_lowered;
	s4 =	sadd.s32 s4, s6;
	[dreg:$0x0] =	wrdreg $0x0  }
0xb7: {  	s6 =	sshll.u32 s28, $0x1;
	[dreg:$0x2] =	wrdreg s4  }
0xb8: {  	[dreg:$0x3] =	wrdreg s6  }
0xb9: {  	[dreg:$0x4] =	wrdreg $0xC0  }
0xba: {  	_ =	task [dreg:s22], $0x5FFFF  }
0xbb: {  	[dreg:$0x1] =	wrdreg $0xFFFFFFFF  }
0xbc: {  	[dreg:$0x0] =	wrdreg $0x60  }
0xbd: {  	[dreg:$0x2] =	wrdreg s18  }
0xbe: {  	[dreg:$0x3] =	wrdreg s24  }
0xbf: {  	[dreg:$0x4] =	wrdreg $0x68000  }
0xc0: {  	[dreg:$0x5] =	wrdreg $0x9  }
0xc1: {  	_ =	task.clear_ibuf [dreg:s22], $0x6FFFF;
	_ =	strace $0x90000049  }
0xc2: {  	s29 =	simm.s32 $0x9;
	_ =	strace $0x8000004B  }
0xc3: {  	_ =	swait.ge [sflag:s29], $0x1  }
0xc4: {  	[sflag:s29] =	ssyncadd.s32 $0xFFFFFFFF  }
0xc5: {  	_ =	strace $0x9000004B  }
0xc6: {  	_ =	sfence  }
0xc7: {  	s30 =	sld [smem:$0x0];
	_ =	sdelay $0x2  }
0xc8: {  	s31 =	sshll.u32 s1, $0xD;
	s1 =	sshrl.u32 s1, $0x2  }
0xc9: {  	s4 =	sand.u32 $0x4000, s31;
	s1 =	sadd.s32 s1, s30  }
0xca: {  	s0 =	sor.u32 s4, s0;
	s1 =	sshll.u32 s1, $0x11  }
0xcb: {  	s0 =	sor.u32 s1, s0  }
0xcc: {  	s0 =	sadd.s32 $0x8F2B, s0  }
0xcd: {  	[sflag:s0] =	ssyncadd.remote.s32 $0x1  }
0xce: {  	_ =	sfence.sel $0xFFFF  }
0xcf: {  	[dreg:$0x0] =	wrdreg $0xFFFFFFFF;
	(pc) =	sbr.abs _section_cstart, $3  }
0xd0: {  	[dreg:$0x1] =	wrdreg $0xFFFFFFFF  }
0xd1: {  	_ =	task.clear_ibuf [dreg:s22], $0x2FFFF;
	_ =	strace $0x9FFFFFFF  }
0xd2: {  	(tm) =	ssettm $0x7FFFFFFF  }
0xd3: {  	_ =	shalt  }
tec
execute0_lowered:
.L_overlay_start_1:
0x0: {  	(tag) =	ssettag $0x1  }
0x1: {  	s0 =	rddreg [dreg:$0x0]  }
0x2: {  	s1 =	rddreg [dreg:$0x1]  }
0x3: {  	s2 =	rddreg [dreg:$0x2]  }
0x4: {  	s4 =	srdreg.scid;
	s11 =	stileid.u32;
	s3 =	simm.s32 $0x0  }
0x5: {  	s12 =	simm.s32 $0x2;
	s13 =	simm.s32 $0x2800;
	s14 =	simm.s32 $0x80  }
0x6: {  	s17 =	simm.s32 $0x1400;
	s18 =	simm.s32 $0x1;
	s29 =	simm.s32 $0x2100  }
0x7: {  	s30 =	simm.s32 $0x2180;
	s31 =	simm.s32 $0x2200;
	s15 =	simm.s32 $0x2380  }
0x8: {  	s16 =	simm.s32 $0x2400;
	s19 =	simm.s32 $0x2480;
	s20 =	simm.s32 $0x2500  }
0x9: {  	s21 =	simm.s32 $0x2580;
	s22 =	simm.s32 $0x2600;
	s6 =	sand.u32 $0x1, s4  }
0xa: {  	s7 =	smul.u32 $0x2780, s11;
	[smem:$0x7FF] =	sst s3;
	s4 =	sadd.s32 $0x33C00, s1  }
0xb: {  	s5 =	sadd.s32 $0x85400, s1;
	s9 =	smul.u32 $0x4F000, s11;
	s26 =	sshll.u32 s11, $0x6  }
0xc: {  	s8 =	smul.u32 $0x27800, s6;
	s23 =	sshll.u32 s6, $0x4;
	s6 =	ssub.s32 $0x2, s6  }
0xd: {  	_ =	strace $0x8000004A;
	s24 =	sshrl.u32 s6, $0x1;
	s25 =	sshrl.u32 s9, $0x2  }
0xe: {  	s7 =	sadd.s32 s7, s8;
	s8 =	sor.u32 s11, s23;
	s10 =	ssub.s32 s6, s24  }
0xf: {  	s28 =	sadd.s32 s25, s2;
	s6 =	sor.u32 $0x1C02, s26;
	s23 =	simm.s32 $0x2680  }
0x10: {  	s24 =	simm.s32 $0x2700;
	s25 =	simm.s32 $0x2780;
	s8 =	smul.u32 $0x500, s8  }
0x11: {  	s26 =	simm.s32 $0x0;
	s1 =	sadd.s32 s7, s1;
	s10 =	smax.u32 s10, $0x1  }
0x12: {  	s11 =	sshrl.u32 s28, $0x3;
	s9 =	sadd.s32 $0x85C00, s1;
	s7 =	sadd.s32 s0, s8  }
0x13: {  	s1 =	simm.s32 $0x2300;
	s0 =	simm.s32 $0x2280;
	s8 =	sadd.s32 $0x280, s7  }
.LBB2_4:
0x14: {  	[spmem:s11], [sflag:s6] =	dma.local [hbm:s4], $0x2780  }
0x15: {  	_ =	swait.ge [sflag:s12], $0x2780  }
0x16: {  	[sflag:s12] =	ssyncset.done $0x0  }
0x17: {  	[sflag:s12] =	ssyncadd.s32 $0xFFFFD880  }
0x18: {  	[tilespmem:s13], [sflag:$0x2] =	stream.linear.gather [hbm4b:s5+s3], $0x4000, $0x38;
	[tilespmem:$0x1A400] =	vst v63  }
0x19: {  	_ =	swait.ge [sflag:s12], $0x4000  }
0x1a: {  	[sflag:s12] =	ssyncset.done $0x0  }
0x1b: {  	[sflag:s12] =	ssyncadd.s32 $0xFFFFC000  }
0x1c: {  	[bflag:$0x0] =	sbarrier.arrive $0xFFFF  }
0x1d: {  	[tilespmem:s3], [sflag:$0x2] =	stream.linear.gather [hbm4b:s7+s3], $0x1400, $0x38;
	[tilespmem:$0x1A400] =	vst v63  }
0x1e: {  	_ =	swait.ge [sflag:s12], $0x1400  }
0x1f: {  	[sflag:s12] =	ssyncset.done $0x0  }
0x20: {  	[sflag:s12] =	ssyncadd.s32 $0xFFFFEC00  }
0x21: {  	[spmem:s2] =	stream.indirect.scatter.add.f32 [tilespmem:s13], [sflag:$0x1], $0x80, s3, s14, $0xb8;
	[tilespmem:$0x1A400] =	vst v63  }
0x22: {  	_ = 	snop  }
0x23: {  	[spmem:s2] =	stream.indirect.scatter.add.f32 [tilespmem:s13], [sflag:$0x1], $0x80, s14, s14, $0xb8;
	[tilespmem:$0x1A400] =	vst v63  }
0x24: {  	s28 =	simm.s32 $0x100  }
0x25: {  	[spmem:s2] =	stream.indirect.scatter.add.f32 [tilespmem:s13], [sflag:$0x1], $0x80, s28, s14, $0xb8;
	[tilespmem:$0x1A400] =	vst v63  }
0x26: {  	s28 =	simm.s32 $0x180  }
0x27: {  	[spmem:s2] =	stream.indirect.scatter.add.f32 [tilespmem:s13], [sflag:$0x1], $0x80, s28, s14, $0xb8;
	[tilespmem:$0x1A400] =	vst v63  }
0x28: {  	s28 =	simm.s32 $0x200  }
0x29: {  	[spmem:s2] =	stream.indirect.scatter.add.f32 [tilespmem:s13], [sflag:$0x1], $0x80, s28, s14, $0xb8;
	[tilespmem:$0x1A400] =	vst v63  }
0x2a: {  	s28 =	simm.s32 $0x280  }
0x2b: {  	[spmem:s2] =	stream.indirect.scatter.add.f32 [tilespmem:s13], [sflag:$0x1], $0x80, s28, s14, $0xb8;
	[tilespmem:$0x1A400] =	vst v63  }
0x2c: {  	s28 =	simm.s32 $0x300  }
0x2d: {  	[spmem:s2] =	stream.indirect.scatter.add.f32 [tilespmem:s13], [sflag:$0x1], $0x80, s28, s14, $0xb8;
	[tilespmem:$0x1A400] =	vst v63  }
0x2e: {  	s28 =	simm.s32 $0x380  }
0x2f: {  	[spmem:s2] =	stream.indirect.scatter.add.f32 [tilespmem:s13], [sflag:$0x1], $0x80, s28, s14, $0xb8;
	[tilespmem:$0x1A400] =	vst v63  }
0x30: {  	s28 =	simm.s32 $0x400  }
0x31: {  	[spmem:s2] =	stream.indirect.scatter.add.f32 [tilespmem:s13], [sflag:$0x1], $0x80, s28, s14, $0xb8;
	[tilespmem:$0x1A400] =	vst v63  }
0x32: {  	s28 =	simm.s32 $0x480  }
0x33: {  	[spmem:s2] =	stream.indirect.scatter.add.f32 [tilespmem:s13], [sflag:$0x1], $0x80, s28, s14, $0xb8;
	[tilespmem:$0x1A400] =	vst v63  }
0x34: {  	s28 =	simm.s32 $0x500  }
0x35: {  	[spmem:s2] =	stream.indirect.scatter.add.f32 [tilespmem:s13], [sflag:$0x1], $0x80, s28, s14, $0xb8;
	[tilespmem:$0x1A400] =	vst v63  }
0x36: {  	s28 =	simm.s32 $0x580  }
0x37: {  	[spmem:s2] =	stream.indirect.scatter.add.f32 [tilespmem:s13], [sflag:$0x1], $0x80, s28, s14, $0xb8;
	[tilespmem:$0x1A400] =	vst v63  }
0x38: {  	s28 =	simm.s32 $0x600  }
0x39: {  	[spmem:s2] =	stream.indirect.scatter.add.f32 [tilespmem:s13], [sflag:$0x1], $0x80, s28, s14, $0xb8;
	[tilespmem:$0x1A400] =	vst v63  }
0x3a: {  	s28 =	simm.s32 $0x680  }
0x3b: {  	[spmem:s2] =	stream.indirect.scatter.add.f32 [tilespmem:s13], [sflag:$0x1], $0x80, s28, s14, $0xb8;
	[tilespmem:$0x1A400] =	vst v63  }
0x3c: {  	s28 =	simm.s32 $0x700  }
0x3d: {  	[spmem:s2] =	stream.indirect.scatter.add.f32 [tilespmem:s13], [sflag:$0x1], $0x80, s28, s14, $0xb8;
	[tilespmem:$0x1A400] =	vst v63  }
0x3e: {  	s28 =	simm.s32 $0x780  }
0x3f: {  	[spmem:s2] =	stream.indirect.scatter.add.f32 [tilespmem:s13], [sflag:$0x1], $0x80, s28, s14, $0xb8;
	[tilespmem:$0x1A400] =	vst v63  }
0x40: {  	s28 =	simm.s32 $0x800  }
0x41: {  	[spmem:s2] =	stream.indirect.scatter.add.f32 [tilespmem:s13], [sflag:$0x1], $0x80, s28, s14, $0xb8;
	[tilespmem:$0x1A400] =	vst v63  }
0x42: {  	s28 =	simm.s32 $0x880  }
0x43: {  	[spmem:s2] =	stream.indirect.scatter.add.f32 [tilespmem:s13], [sflag:$0x1], $0x80, s28, s14, $0xb8;
	[tilespmem:$0x1A400] =	vst v63  }
0x44: {  	s28 =	simm.s32 $0x900  }
0x45: {  	[spmem:s2] =	stream.indirect.scatter.add.f32 [tilespmem:s13], [sflag:$0x1], $0x80, s28, s14, $0xb8;
	[tilespmem:$0x1A400] =	vst v63  }
0x46: {  	s28 =	simm.s32 $0x980  }
0x47: {  	[spmem:s2] =	stream.indirect.scatter.add.f32 [tilespmem:s13], [sflag:$0x1], $0x80, s28, s14, $0xb8;
	[tilespmem:$0x1A400] =	vst v63  }
0x48: {  	s28 =	simm.s32 $0xA00  }
0x49: {  	[spmem:s2] =	stream.indirect.scatter.add.f32 [tilespmem:s13], [sflag:$0x1], $0x80, s28, s14, $0xb8;
	[tilespmem:$0x1A400] =	vst v63  }
0x4a: {  	s28 =	simm.s32 $0xA80  }
0x4b: {  	[spmem:s2] =	stream.indirect.scatter.add.f32 [tilespmem:s13], [sflag:$0x1], $0x80, s28, s14, $0xb8;
	[tilespmem:$0x1A400] =	vst v63  }
0x4c: {  	s28 =	simm.s32 $0xB00  }
0x4d: {  	[spmem:s2] =	stream.indirect.scatter.add.f32 [tilespmem:s13], [sflag:$0x1], $0x80, s28, s14, $0xb8;
	[tilespmem:$0x1A400] =	vst v63  }
0x4e: {  	s28 =	simm.s32 $0xB80  }
0x4f: {  	[spmem:s2] =	stream.indirect.scatter.add.f32 [tilespmem:s13], [sflag:$0x1], $0x80, s28, s14, $0xb8;
	[tilespmem:$0x1A400] =	vst v63  }
0x50: {  	s28 =	simm.s32 $0xC00  }
0x51: {  	[spmem:s2] =	stream.indirect.scatter.add.f32 [tilespmem:s13], [sflag:$0x1], $0x80, s28, s14, $0xb8;
	[tilespmem:$0x1A400] =	vst v63  }
0x52: {  	s28 =	simm.s32 $0xC80  }
0x53: {  	[spmem:s2] =	stream.indirect.scatter.add.f32 [tilespmem:s13], [sflag:$0x1], $0x80, s28, s14, $0xb8;
	[tilespmem:$0x1A400] =	vst v63  }
0x54: {  	s28 =	simm.s32 $0xD00  }
0x55: {  	[spmem:s2] =	stream.indirect.scatter.add.f32 [tilespmem:s13], [sflag:$0x1], $0x80, s28, s14, $0xb8;
	[tilespmem:$0x1A400] =	vst v63  }
0x56: {  	s28 =	simm.s32 $0xD80  }
0x57: {  	[spmem:s2] =	stream.indirect.scatter.add.f32 [tilespmem:s13], [sflag:$0x1], $0x80, s28, s14, $0xb8;
	[tilespmem:$0x1A400] =	vst v63  }
0x58: {  	s28 =	simm.s32 $0xE00  }
0x59: {  	[spmem:s2] =	stream.indirect.scatter.add.f32 [tilespmem:s13], [sflag:$0x1], $0x80, s28, s14, $0xb8;
	[tilespmem:$0x1A400] =	vst v63  }
0x5a: {  	s28 =	simm.s32 $0xE80  }
0x5b: {  	[spmem:s2] =	stream.indirect.scatter.add.f32 [tilespmem:s13], [sflag:$0x1], $0x80, s28, s14, $0xb8;
	[tilespmem:$0x1A400] =	vst v63  }
0x5c: {  	s28 =	simm.s32 $0xF00  }
0x5d: {  	[spmem:s2] =	stream.indirect.scatter.add.f32 [tilespmem:s13], [sflag:$0x1], $0x80, s28, s14, $0xb8;
	[tilespmem:$0x1A400] =	vst v63  }
0x5e: {  	s28 =	simm.s32 $0xF80  }
0x5f: {  	[spmem:s2] =	stream.indirect.scatter.add.f32 [tilespmem:s13], [sflag:$0x1], $0x80, s28, s14, $0xb8;
	[tilespmem:$0x1A400] =	vst v63  }
0x60: {  	s28 =	simm.s32 $0x1000  }
0x61: {  	[spmem:s2] =	stream.indirect.scatter.add.f32 [tilespmem:s13], [sflag:$0x1], $0x80, s28, s14, $0xb8;
	[tilespmem:$0x1A400] =	vst v63  }
0x62: {  	s28 =	simm.s32 $0x1080  }
0x63: {  	[spmem:s2] =	stream.indirect.scatter.add.f32 [tilespmem:s13], [sflag:$0x1], $0x80, s28, s14, $0xb8;
	[tilespmem:$0x1A400] =	vst v63  }
0x64: {  	s28 =	simm.s32 $0x1100  }
0x65: {  	[spmem:s2] =	stream.indirect.scatter.add.f32 [tilespmem:s13], [sflag:$0x1], $0x80, s28, s14, $0xb8;
	[tilespmem:$0x1A400] =	vst v63  }
0x66: {  	s28 =	simm.s32 $0x1180  }
0x67: {  	[spmem:s2] =	stream.indirect.scatter.add.f32 [tilespmem:s13], [sflag:$0x1], $0x80, s28, s14, $0xb8;
	[tilespmem:$0x1A400] =	vst v63  }
0x68: {  	s28 =	simm.s32 $0x1200  }
0x69: {  	[spmem:s2] =	stream.indirect.scatter.add.f32 [tilespmem:s13], [sflag:$0x1], $0x80, s28, s14, $0xb8;
	[tilespmem:$0x1A400] =	vst v63  }
0x6a: {  	s28 =	simm.s32 $0x1280  }
0x6b: {  	[spmem:s2] =	stream.indirect.scatter.add.f32 [tilespmem:s13], [sflag:$0x1], $0x80, s28, s14, $0xb8;
	[tilespmem:$0x1A400] =	vst v63  }
0x6c: {  	s28 =	simm.s32 $0x1300  }
0x6d: {  	[spmem:s2] =	stream.indirect.scatter.add.f32 [tilespmem:s13], [sflag:$0x1], $0x80, s28, s14, $0xb8;
	[tilespmem:$0x1A400] =	vst v63  }
0x6e: {  	s28 =	simm.s32 $0x1380  }
0x6f: {  	[spmem:s2] =	stream.indirect.scatter.add.f32 [tilespmem:s13], [sflag:$0x1], $0x80, s28, s14, $0xb8;
	[tilespmem:$0x1A400] =	vst v63  }
0x70: {  	_ = 	snop  }
0x71: {  	[tilespmem:s17], [sflag:$0x2] =	stream.linear.gather [hbm4b:s8+s3], $0x1400, $0x38;
	[tilespmem:$0x1A400] =	vst v63  }
0x72: {  	_ =	swait.ge [sflag:s12], $0x1400  }
0x73: {  	[sflag:s12] =	ssyncset.done $0x0  }
0x74: {  	[sflag:s12] =	ssyncadd.s32 $0xFFFFEC00  }
0x75: {  	_ =	swait.ge [sflag:s18], $0x4000  }
0x76: {  	s28 =	simm.s32 $0x27;
	[sflag:s18] =	ssyncset.done $0x0  }
.LBB2_5:
0x77: {  	p0 =	seq.s32 s28, $0x1;
	s28 =	sadd.s32 $0xFFFFFFFF, s28;
	[sflag:s18] =	ssyncadd.s32 $0xFFFFC000  }
.Ltmp0:
0x78: {  	(pc) =	sbr.rel @!p0 .LBB2_5-.Ltmp0, $3  }
0x79: {  	_ =	sdelay $0x1  }
0x7a: {  	_ =	swait.ge [sflag:s18], $0x4000  }
0x7b: {  	[sflag:s18] =	ssyncset.done $0x0  }
0x7c: {  	[sflag:s18] =	ssyncadd.s32 $0xFFFFC000  }
0x7d: {  	[spmem:s2] =	stream.indirect.scatter.add.f32 [tilespmem:s13], [sflag:$0x1], $0x80, s17, s14, $0xb8;
	[tilespmem:$0x1A400] =	vst v63  }
0x7e: {  	s28 =	simm.s32 $0x1480  }
0x7f: {  	[spmem:s2] =	stream.indirect.scatter.add.f32 [tilespmem:s13], [sflag:$0x1], $0x80, s28, s14, $0xb8;
	[tilespmem:$0x1A400] =	vst v63  }
0x80: {  	s28 =	simm.s32 $0x1500  }
0x81: {  	[spmem:s2] =	stream.indirect.scatter.add.f32 [tilespmem:s13], [sflag:$0x1], $0x80, s28, s14, $0xb8;
	[tilespmem:$0x1A400] =	vst v63  }
0x82: {  	s28 =	simm.s32 $0x1580  }
0x83: {  	[spmem:s2] =	stream.indirect.scatter.add.f32 [tilespmem:s13], [sflag:$0x1], $0x80, s28, s14, $0xb8;
	[tilespmem:$0x1A400] =	vst v63  }
0x84: {  	s28 =	simm.s32 $0x1600  }
0x85: {  	[spmem:s2] =	stream.indirect.scatter.add.f32 [tilespmem:s13], [sflag:$0x1], $0x80, s28, s14, $0xb8;
	[tilespmem:$0x1A400] =	vst v63  }
0x86: {  	s28 =	simm.s32 $0x1680  }
0x87: {  	[spmem:s2] =	stream.indirect.scatter.add.f32 [tilespmem:s13], [sflag:$0x1], $0x80, s28, s14, $0xb8;
	[tilespmem:$0x1A400] =	vst v63  }
0x88: {  	s28 =	simm.s32 $0x1700  }
0x89: {  	[spmem:s2] =	stream.indirect.scatter.add.f32 [tilespmem:s13], [sflag:$0x1], $0x80, s28, s14, $0xb8;
	[tilespmem:$0x1A400] =	vst v63  }
0x8a: {  	s28 =	simm.s32 $0x1780  }
0x8b: {  	[spmem:s2] =	stream.indirect.scatter.add.f32 [tilespmem:s13], [sflag:$0x1], $0x80, s28, s14, $0xb8;
	[tilespmem:$0x1A400] =	vst v63  }
0x8c: {  	s28 =	simm.s32 $0x1800  }
0x8d: {  	[spmem:s2] =	stream.indirect.scatter.add.f32 [tilespmem:s13], [sflag:$0x1], $0x80, s28, s14, $0xb8;
	[tilespmem:$0x1A400] =	vst v63  }
0x8e: {  	s28 =	simm.s32 $0x1880  }
0x8f: {  	[spmem:s2] =	stream.indirect.scatter.add.f32 [tilespmem:s13], [sflag:$0x1], $0x80, s28, s14, $0xb8;
	[tilespmem:$0x1A400] =	vst v63  }
0x90: {  	s28 =	simm.s32 $0x1900  }
0x91: {  	[spmem:s2] =	stream.indirect.scatter.add.f32 [tilespmem:s13], [sflag:$0x1], $0x80, s28, s14, $0xb8;
	[tilespmem:$0x1A400] =	vst v63  }
0x92: {  	s28 =	simm.s32 $0x1980  }
0x93: {  	[spmem:s2] =	stream.indirect.scatter.add.f32 [tilespmem:s13], [sflag:$0x1], $0x80, s28, s14, $0xb8;
	[tilespmem:$0x1A400] =	vst v63  }
0x94: {  	s28 =	simm.s32 $0x1A00  }
0x95: {  	[spmem:s2] =	stream.indirect.scatter.add.f32 [tilespmem:s13], [sflag:$0x1], $0x80, s28, s14, $0xb8;
	[tilespmem:$0x1A400] =	vst v63  }
0x96: {  	s28 =	simm.s32 $0x1A80  }
0x97: {  	[spmem:s2] =	stream.indirect.scatter.add.f32 [tilespmem:s13], [sflag:$0x1], $0x80, s28, s14, $0xb8;
	[tilespmem:$0x1A400] =	vst v63  }
0x98: {  	s28 =	simm.s32 $0x1B00  }
0x99: {  	[spmem:s2] =	stream.indirect.scatter.add.f32 [tilespmem:s13], [sflag:$0x1], $0x80, s28, s14, $0xb8;
	[tilespmem:$0x1A400] =	vst v63  }
0x9a: {  	s28 =	simm.s32 $0x1B80  }
0x9b: {  	[spmem:s2] =	stream.indirect.scatter.add.f32 [tilespmem:s13], [sflag:$0x1], $0x80, s28, s14, $0xb8;
	[tilespmem:$0x1A400] =	vst v63  }
0x9c: {  	s28 =	simm.s32 $0x1C00  }
0x9d: {  	[spmem:s2] =	stream.indirect.scatter.add.f32 [tilespmem:s13], [sflag:$0x1], $0x80, s28, s14, $0xb8;
	[tilespmem:$0x1A400] =	vst v63  }
0x9e: {  	s28 =	simm.s32 $0x1C80  }
0x9f: {  	[spmem:s2] =	stream.indirect.scatter.add.f32 [tilespmem:s13], [sflag:$0x1], $0x80, s28, s14, $0xb8;
	[tilespmem:$0x1A400] =	vst v63  }
0xa0: {  	s28 =	simm.s32 $0x1D00  }
0xa1: {  	[spmem:s2] =	stream.indirect.scatter.add.f32 [tilespmem:s13], [sflag:$0x1], $0x80, s28, s14, $0xb8;
	[tilespmem:$0x1A400] =	vst v63  }
0xa2: {  	s28 =	simm.s32 $0x1D80  }
0xa3: {  	[spmem:s2] =	stream.indirect.scatter.add.f32 [tilespmem:s13], [sflag:$0x1], $0x80, s28, s14, $0xb8;
	[tilespmem:$0x1A400] =	vst v63  }
0xa4: {  	s28 =	simm.s32 $0x1E00  }
0xa5: {  	[spmem:s2] =	stream.indirect.scatter.add.f32 [tilespmem:s13], [sflag:$0x1], $0x80, s28, s14, $0xb8;
	[tilespmem:$0x1A400] =	vst v63  }
0xa6: {  	s28 =	simm.s32 $0x1E80  }
0xa7: {  	[spmem:s2] =	stream.indirect.scatter.add.f32 [tilespmem:s13], [sflag:$0x1], $0x80, s28, s14, $0xb8;
	[tilespmem:$0x1A400] =	vst v63  }
0xa8: {  	s28 =	simm.s32 $0x1F00  }
0xa9: {  	[spmem:s2] =	stream.indirect.scatter.add.f32 [tilespmem:s13], [sflag:$0x1], $0x80, s28, s14, $0xb8;
	[tilespmem:$0x1A400] =	vst v63  }
0xaa: {  	s28 =	simm.s32 $0x1F80  }
0xab: {  	[spmem:s2] =	stream.indirect.scatter.add.f32 [tilespmem:s13], [sflag:$0x1], $0x80, s28, s14, $0xb8;
	[tilespmem:$0x1A400] =	vst v63  }
0xac: {  	s28 =	simm.s32 $0x2000  }
0xad: {  	[spmem:s2] =	stream.indirect.scatter.add.f32 [tilespmem:s13], [sflag:$0x1], $0x80, s28, s14, $0xb8;
	[tilespmem:$0x1A400] =	vst v63  }
0xae: {  	s28 =	simm.s32 $0x2080  }
0xaf: {  	[spmem:s2] =	stream.indirect.scatter.add.f32 [tilespmem:s13], [sflag:$0x1], $0x80, s28, s14, $0xb8;
	[tilespmem:$0x1A400] =	vst v63  }
0xb0: {  	_ = 	snop  }
0xb1: {  	[spmem:s2] =	stream.indirect.scatter.add.f32 [tilespmem:s13], [sflag:$0x1], $0x80, s29, s14, $0xb8;
	[tilespmem:$0x1A400] =	vst v63  }
0xb2: {  	_ = 	snop  }
0xb3: {  	[spmem:s2] =	stream.indirect.scatter.add.f32 [tilespmem:s13], [sflag:$0x1], $0x80, s30, s14, $0xb8;
	[tilespmem:$0x1A400] =	vst v63  }
0xb4: {  	_ = 	snop  }
0xb5: {  	[spmem:s2] =	stream.indirect.scatter.add.f32 [tilespmem:s13], [sflag:$0x1], $0x80, s31, s14, $0xb8;
	[tilespmem:$0x1A400] =	vst v63  }
0xb6: {  	_ = 	snop  }
0xb7: {  	[spmem:s2] =	stream.indirect.scatter.add.f32 [tilespmem:s13], [sflag:$0x1], $0x80, s0, s14, $0xb8;
	[tilespmem:$0x1A400] =	vst v63  }
0xb8: {  	_ = 	snop  }
0xb9: {  	[spmem:s2] =	stream.indirect.scatter.add.f32 [tilespmem:s13], [sflag:$0x1], $0x80, s1, s14, $0xb8;
	[tilespmem:$0x1A400] =	vst v63  }
0xba: {  	_ = 	snop  }
0xbb: {  	[spmem:s2] =	stream.indirect.scatter.add.f32 [tilespmem:s13], [sflag:$0x1], $0x80, s15, s14, $0xb8;
	[tilespmem:$0x1A400] =	vst v63  }
0xbc: {  	_ = 	snop  }
0xbd: {  	[spmem:s2] =	stream.indirect.scatter.add.f32 [tilespmem:s13], [sflag:$0x1], $0x80, s16, s14, $0xb8;
	[tilespmem:$0x1A400] =	vst v63  }
0xbe: {  	_ = 	snop  }
0xbf: {  	[spmem:s2] =	stream.indirect.scatter.add.f32 [tilespmem:s13], [sflag:$0x1], $0x80, s19, s14, $0xb8;
	[tilespmem:$0x1A400] =	vst v63  }
0xc0: {  	_ = 	snop  }
0xc1: {  	[spmem:s2] =	stream.indirect.scatter.add.f32 [tilespmem:s13], [sflag:$0x1], $0x80, s20, s14, $0xb8;
	[tilespmem:$0x1A400] =	vst v63  }
0xc2: {  	_ = 	snop  }
0xc3: {  	[spmem:s2] =	stream.indirect.scatter.add.f32 [tilespmem:s13], [sflag:$0x1], $0x80, s21, s14, $0xb8;
	[tilespmem:$0x1A400] =	vst v63  }
0xc4: {  	_ = 	snop  }
0xc5: {  	[spmem:s2] =	stream.indirect.scatter.add.f32 [tilespmem:s13], [sflag:$0x1], $0x80, s22, s14, $0xb8;
	[tilespmem:$0x1A400] =	vst v63  }
0xc6: {  	_ = 	snop  }
0xc7: {  	[spmem:s2] =	stream.indirect.scatter.add.f32 [tilespmem:s13], [sflag:$0x1], $0x80, s23, s14, $0xb8;
	[tilespmem:$0x1A400] =	vst v63  }
0xc8: {  	_ = 	snop  }
0xc9: {  	[spmem:s2] =	stream.indirect.scatter.add.f32 [tilespmem:s13], [sflag:$0x1], $0x80, s24, s14, $0xb8;
	[tilespmem:$0x1A400] =	vst v63  }
0xca: {  	_ = 	snop  }
0xcb: {  	[spmem:s2] =	stream.indirect.scatter.add.f32 [tilespmem:s13], [sflag:$0x1], $0x80, s25, s14, $0xb8;
	[tilespmem:$0x1A400] =	vst v63  }
0xcc: {  	_ =	swait.ge [sflag:s18], $0x4000  }
0xcd: {  	s28 =	simm.s32 $0x27;
	[sflag:s18] =	ssyncset.done $0x0  }
.LBB2_2:
0xce: {  	p0 =	sne.s32 s28, $0x1;
	s28 =	sadd.s32 $0xFFFFFFFF, s28;
	[sflag:s18] =	ssyncadd.s32 $0xFFFFC000  }
.Ltmp1:
0xcf: {  	(pc) =	sbr.rel @p0 .LBB2_2-.Ltmp1, $3  }
0xd0: {  	_ =	sdelay $0x1  }
0xd1: {  	_ =	swait.ge [sflag:s18], $0x4000  }
0xd2: {  	[sflag:s18] =	ssyncset.done $0x0  }
0xd3: {  	s26 =	sadd.s32 $0x1, s26  }
0xd4: {  	[sflag:s18] =	ssyncadd.s32 $0xFFFFC000;
	p0 =	seq.s32 s26, s10  }
.Ltmp2:
0xd5: {  	[bflag:$0x0] =	sbarrier.arrive $0xFFFF;
	(pc) =	sbr.rel @!p0 .LBB2_4-.Ltmp2, $4  }
0xd6: {  	[hbm:s9], [sflag:s6] =	dma.local [spmem:s11], $0x2780  }
0xd7: {  	_ =	swait.ge [sflag:s12], $0x2780  }
0xd8: {  	[sflag:s12] =	ssyncset.done $0x0  }
0xd9: {  	[sflag:s12] =	ssyncadd.s32 $0xFFFFD880  }
0xda: {  	_ =	sfence.sel $0x180000  }
0xdb: {  	[bflag:$0x0] =	sbarrier.arrive $0xFFFF  }
0xdc: {  	_ =	strace $0x9000004A  }
0xdd: {  	s0 =	stileid.u32;
	[bflag:$0x2] =	sbarrier.arrive $0xFFFF  }
0xde: {  	p0 =	sne.s32 s0, $0x0;
	s0 =	rddreg [dreg:$0x3]  }
0xdf: {  	s0 =	sadd.s32 @!p0 $0x100000, s0  }
0xe0: {  	[sflag:s0] =	ssyncadd.tile.s32 @!p0 $0x1;
	_ =	shalt  }
.Lfunc_end2:
_tile_overlayer_lowered:
.L_overlay_start_2:
0xe1: {  	(tag) =	ssettag $0x2  }
0xe2: {  	s0 =	rddreg [dreg:$0x0];
	s2 =	stileid.u32  }
0xe3: {  	s1 =	rddreg [dreg:$0x1];
	p0 =	sne.s32 s2, $0x0  }
0xe4: {  	s3 =	rddreg [dreg:$0x2];
	[bflag:$0x3] =	sbarrier.arrive $0xFFFF;
	s2 =	simm.s32 @!p0 $0x1C02  }
0xe5: {  	[timem:s3], [sflag:s2] =	dma.local @!p0 [hbm:s0], s1  }
0xe6: {  	s0 =	simm.s32 @!p0 $0x2  }
0xe7: {  	_ =	swait.ge @!p0 [sflag:s0], s1  }
0xe8: {  	s1 =	ssub.s32 @!p0 $0x0, s1;
	[sflag:s0] =	ssyncset.done @!p0 $0x0  }
0xe9: {  	[sflag:s0] =	ssyncadd.s32 @!p0 s1  }
0xea: {  	[bflag:$0x3] =	sbarrier.arrive $0xFFFF  }
0xeb: {  	_ =	shalt  }

</sc_bundles>
